<compile_context>
chip_gen: v7x
topology: tpu7x:2x2x1
jax: 0.10.2.dev20260603
libtpu: 0.0.44.dev20260713+nightly
codegen_flags: <defaults>
</compile_context>

<pallas_src>
import functools

import jax
import jax.numpy as jnp
from jax import lax
from jax.experimental import pallas as pl
from jax.experimental.pallas import tpu as pltpu
from jax.experimental.pallas import tpu_sc as plsc

DELTA_X = 0.01
INV_DX2 = 1.0 / (DELTA_X * DELTA_X)

NC = 2
NS = 16
NW = NC * NS


def _sc_scatter_sum(edge_index4, edge_attr, n_nodes):
    n_chunks, chunk = edge_index4.shape[2], edge_index4.shape[3]
    d = edge_attr.shape[1]
    edges_per_w = n_chunks * chunk
    stripe = (n_nodes // NS) // 8 * 8
    tail_off = NS * stripe
    tail = n_nodes - tail_off

    mesh = plsc.VectorSubcoreMesh(core_axis_name="c", subcore_axis_name="s")

    nbuf = 3
    rounds = n_chunks // nbuf
    tail_chunks = n_chunks - rounds * nbuf
    zb = 16
    z_copies = stripe // zb
    assert z_copies * zb == stripe

    @functools.partial(
        pl.kernel,
        out_type=jax.ShapeDtypeStruct((NC, n_nodes, d), jnp.float32),
        mesh=mesh,
        scratch_types=[
            pltpu.VMEM_SHARED((n_nodes, d), jnp.float32),
            pltpu.VMEM((n_chunks, chunk), jnp.int32),
            pltpu.VMEM((nbuf, chunk, d), jnp.float32),
            pltpu.VMEM((zb, d), jnp.float32),
            pltpu.SemaphoreType.DMA((nbuf,)),
            pltpu.SemaphoreType.DMA,
            pltpu.SemaphoreType.DMA,
        ],
    )
    def k(idx_hbm, attr_hbm, out_hbm, acc, idx_v, attr_v, zbuf, fsem, zsem,
          isem):
        cid = lax.axis_index("c")
        sid = lax.axis_index("s")
        wid = sid * NC + cid
        base = wid * edges_per_w

        def attr_slice(i):
            return attr_hbm.at[pl.ds(base + i * chunk, chunk)]

        for b in range(nbuf):
            pltpu.async_copy(attr_slice(b), attr_v.at[b], fsem.at[b])
        pltpu.async_copy(idx_hbm.at[1, wid], idx_v, isem)

        zvec = jnp.zeros((16,), jnp.float32)
        for r in range(zb):
            for c in range(0, d, 16):
                zbuf[r, pl.ds(c, 16)] = zvec
        r0 = sid * stripe
        zsrc = zbuf.at[pl.ds(0, zb)]

        zg = 4
        zrem = z_copies % zg

        @pl.loop(0, z_copies // zg)
        def _(g):
            for u in range(zg):
                pltpu.async_copy(zsrc, acc.at[pl.ds(r0 + (g * zg + u) * zb,
                                                    zb)], zsem)
            for u in range(zg):
                pltpu.make_async_copy(zsrc,
                                      acc.at[pl.ds(r0 + (g * zg + u) * zb,
                                                   zb)], zsem).wait()

        for u in range(zrem):
            j = z_copies - zrem + u
            pltpu.async_copy(zsrc, acc.at[pl.ds(r0 + j * zb, zb)], zsem)

        @pl.when(sid == NS - 1)
        def _():
            pltpu.async_copy(zsrc, acc.at[pl.ds(tail_off, tail)], zsem)

        for u in range(zrem):
            j = z_copies - zrem + u
            pltpu.make_async_copy(zsrc, acc.at[pl.ds(r0 + j * zb, zb)],
                                  zsem).wait()

        @pl.when(sid == NS - 1)
        def _():
            pltpu.make_async_copy(zsrc, acc.at[pl.ds(tail_off, tail)],
                                  zsem).wait()

        plsc.subcore_barrier()
        pltpu.make_async_copy(idx_hbm.at[1, wid], idx_v, isem).wait()

        @pl.loop(0, rounds)
        def _(r):
            for b in range(nbuf):
                i = r * nbuf + b
                pltpu.make_async_copy(attr_slice(i), attr_v.at[b],
                                      fsem.at[b]).wait()
                pltpu.sync_copy(attr_v.at[b], acc.at[idx_v.at[i]], add=True)
                nxt = i + nbuf

                @pl.when(nxt < n_chunks)
                def _():
                    pltpu.async_copy(attr_slice(nxt), attr_v.at[b], fsem.at[b])

        for t in range(tail_chunks):
            i = rounds * nbuf + t
            pltpu.make_async_copy(attr_slice(i), attr_v.at[t],
                                  fsem.at[t]).wait()
            pltpu.sync_copy(attr_v.at[t], acc.at[idx_v.at[i]], add=True)

        plsc.subcore_barrier()
        pltpu.sync_copy(acc.at[pl.ds(r0, stripe)],
                        out_hbm.at[cid, pl.ds(r0, stripe)])

        @pl.when(sid == NS - 1)
        def _():
            pltpu.sync_copy(acc.at[pl.ds(tail_off, tail)],
                            out_hbm.at[cid, pl.ds(tail_off, tail)])

    return k(edge_index4, edge_attr)


def _combine(partials, x):
    n_nodes, d = x.shape
    blk = 2000
    grid = n_nodes // blk

    def body(p_ref, x_ref, o_ref):
        o_ref[...] = (p_ref[0] + p_ref[1] - 2.0 * x_ref[...]) * INV_DX2

    return pl.pallas_call(
        body,
        grid=(grid,),
        in_specs=[
            pl.BlockSpec((NC, blk, d), lambda i: (0, i, 0)),
            pl.BlockSpec((blk, d), lambda i: (i, 0)),
        ],
        out_specs=pl.BlockSpec((blk, d), lambda i: (i, 0)),
        out_shape=jax.ShapeDtypeStruct((n_nodes, d), jnp.float32),
    )(partials, x)


def kernel(x, edge_index, edge_attr):
    if edge_index.dtype != jnp.int32:
        edge_index = edge_index.astype(jnp.int32)
    n_edges = edge_index.shape[1]
    chunk = 80
    edge_index4 = edge_index.reshape(2, NW, n_edges // (NW * chunk), chunk)
    partials = _sc_scatter_sum(edge_index4, edge_attr, x.shape[0])
    return _combine(partials, x)

# --- scband reference (transcript-rebuilt; emitter-appended) ---
"""Pipeline reference for scband-node-spatial-second-derivative-16939351015513 (READ-ONLY COPY).

The authoritative reference and input builder live on the scoring server;
editing this copy changes nothing except your own understanding.
"""

import jax, jax.numpy as jnp
import numpy as np

DELTA_X = 0.01

def setup_inputs(seed: int = 0) -> dict:
    key = jax.random.key(seed)
    k1, k2, k3 = jax.random.split(key, 3)
    n_nodes = 10000
    n_edges = 320000
    d_feat = 128
    x = jax.random.normal(k1, (n_nodes, d_feat), dtype=jnp.float32)
    edge_index = jax.random.randint(k2, (2, n_edges), 0, n_nodes, dtype=jnp.int64)
    edge_attr = jax.random.normal(k3, (n_edges, d_feat), dtype=jnp.float32)
    return {"x": x, "edge_index": edge_index, "edge_attr": edge_attr}

def reference(x, edge_index, edge_attr):
    nb_node = x.shape[0]
    # scatter_sum(edge_attr, edge_index[1], dim=0, dim_size=nb_node)
    sum_extrem = jax.ops.segment_sum(edge_attr, edge_index[1], num_segments=nb_node)
    derivative = (sum_extrem - 2.0 * x) / (DELTA_X ** 2)
    return derivative

if __name__ == "__main__":
    import jax
    _d = setup_inputs()
    print(jax.jit(kernel)(*tuple(_d.values())))

</pallas_src>

<mosaic_0001>
#map = affine_map<(d0, d1) -> (0, 0, 0, 0)>
#map1 = affine_map<(d0, d1) -> (0, 0)>
#map2 = affine_map<(d0, d1) -> (0, 0, 0)>
module attributes {stable_mosaic.version = 14 : i64} {
  func.func @k(%arg0: i32, %arg1: i32, %arg2: memref<2x32x125x80xi32, #tpu.memory_space<hbm>>, %arg3: memref<320000x128xf32, #tpu.memory_space<hbm>>, %arg4: memref<2x10000x128xf32, #tpu.memory_space<hbm>>, %arg5: memref<10000x128xf32, #tpu.memory_space<vmem_shared>>, %arg6: memref<125x80xi32, #tpu.memory_space<vmem>>, %arg7: memref<3x80x128xf32, #tpu.memory_space<vmem>>, %arg8: memref<16x128xf32, #tpu.memory_space<vmem>>, %arg9: memref<3x!tpu.dma_semaphore, #tpu.memory_space<semaphore_mem>>, %arg10: memref<!tpu.dma_semaphore, #tpu.memory_space<semaphore_mem>>, %arg11: memref<!tpu.dma_semaphore, #tpu.memory_space<semaphore_mem>>) attributes {dimension_semantics = [#tpu.dimension_semantics<core_parallel>, #tpu.dimension_semantics<subcore_parallel>], iteration_bounds = array<i64: 2, 16>, scalar_prefetch = 0 : i64, scratch_operands = 7 : i64, tpu.core_type = #tpu.core_type<sc_vector_subcore>, window_params = [{transform_indices = #map}, {transform_indices = #map1}, {transform_indices = #map2}]} {
    %mul3A = arith.constant 2 : i32
    %mul3A_0 = arith.muli %arg1, %mul3A : i32
    %add3A = arith.addi %mul3A_0, %arg0 : i32
    %mul3A_1 = arith.constant 10000 : i32
    %mul3A_2 = arith.muli %add3A, %mul3A_1 : i32
    %add3A_3 = arith.constant 0 : i32
    %add3A_4 = arith.addi %mul3A_2, %add3A_3 : i32
    %dma_start3A = arith.constant 0 : i32
    %dma_start3A_5 = arith.constant 0 : i32
    %dma_start3A_6 = arith.constant 0 : i32
    %dma_start3A_7 = arith.constant 0 : i32
    %dma_start3A_8 = tpu.memref_slice %arg7[%dma_start3A, %dma_start3A_6, %dma_start3A_7] : memref<3x80x128xf32, #tpu.memory_space<vmem>> -> memref<1x80x128xf32, #tpu.memory_space<vmem>>
    %dma_start3A_9 = tpu.memref_squeeze %dma_start3A_8 : memref<1x80x128xf32, #tpu.memory_space<vmem>> -> memref<80x128xf32, #tpu.memory_space<vmem>>
    %dma_start3A_10 = arith.constant 0 : i32
    %dma_start3A_11 = tpu.memref_slice %arg3[%add3A_4, %dma_start3A_10] : memref<320000x128xf32, #tpu.memory_space<hbm>> -> memref<80x128xf32, #tpu.memory_space<hbm>>
    %dma_start3A_12 = tpu.memref_slice %arg9[%dma_start3A_5] : memref<3x!tpu.dma_semaphore, #tpu.memory_space<semaphore_mem>> -> memref<1x!tpu.dma_semaphore, #tpu.memory_space<semaphore_mem>>
    %dma_start3A_13 = tpu.memref_squeeze %dma_start3A_12 : memref<1x!tpu.dma_semaphore, #tpu.memory_space<semaphore_mem>> -> memref<!tpu.dma_semaphore, #tpu.memory_space<semaphore_mem>>
    %dma_start3A_14 = arith.constant 0 : i32
    %dma_start3A_15 = arith.constant 0 : i32
    %dma_start3A_16 = tpu.memref_slice %arg7[%dma_start3A, %dma_start3A_14, %dma_start3A_15] : memref<3x80x128xf32, #tpu.memory_space<vmem>> -> memref<1x80x128xf32, #tpu.memory_space<vmem>>
    %dma_start3A_17 = tpu.memref_squeeze %dma_start3A_16 : memref<1x80x128xf32, #tpu.memory_space<vmem>> -> memref<80x128xf32, #tpu.memory_space<vmem>>
    %dma_start3A_18 = arith.constant 0 : i32
    %dma_start3A_19 = tpu.memref_slice %arg3[%add3A_4, %dma_start3A_18] : memref<320000x128xf32, #tpu.memory_space<hbm>> -> memref<80x128xf32, #tpu.memory_space<hbm>>
    tpu.enqueue_dma source(%dma_start3A_19 : memref<80x128xf32, #tpu.memory_space<hbm>>) target(%dma_start3A_17 : memref<80x128xf32, #tpu.memory_space<vmem>>) target_semaphore(%dma_start3A_13 : memref<!tpu.dma_semaphore, #tpu.memory_space<semaphore_mem>>)
    %add3A_20 = arith.constant 80 : i32
    %add3A_21 = arith.addi %mul3A_2, %add3A_20 : i32
    %dma_start3A_22 = arith.constant 1 : i32
    %dma_start3A_23 = arith.constant 1 : i32
    %dma_start3A_24 = arith.constant 0 : i32
    %dma_start3A_25 = arith.constant 0 : i32
    %dma_start3A_26 = tpu.memref_slice %arg7[%dma_start3A_22, %dma_start3A_24, %dma_start3A_25] : memref<3x80x128xf32, #tpu.memory_space<vmem>> -> memref<1x80x128xf32, #tpu.memory_space<vmem>>
    %dma_start3A_27 = tpu.memref_squeeze %dma_start3A_26 : memref<1x80x128xf32, #tpu.memory_space<vmem>> -> memref<80x128xf32, #tpu.memory_space<vmem>>
    %dma_start3A_28 = arith.constant 0 : i32
    %dma_start3A_29 = tpu.memref_slice %arg3[%add3A_21, %dma_start3A_28] : memref<320000x128xf32, #tpu.memory_space<hbm>> -> memref<80x128xf32, #tpu.memory_space<hbm>>
    %dma_start3A_30 = tpu.memref_slice %arg9[%dma_start3A_23] : memref<3x!tpu.dma_semaphore, #tpu.memory_space<semaphore_mem>> -> memref<1x!tpu.dma_semaphore, #tpu.memory_space<semaphore_mem>>
    %dma_start3A_31 = tpu.memref_squeeze %dma_start3A_30 : memref<1x!tpu.dma_semaphore, #tpu.memory_space<semaphore_mem>> -> memref<!tpu.dma_semaphore, #tpu.memory_space<semaphore_mem>>
    %dma_start3A_32 = arith.constant 0 : i32
    %dma_start3A_33 = arith.constant 0 : i32
    %dma_start3A_34 = tpu.memref_slice %arg7[%dma_start3A_22, %dma_start3A_32, %dma_start3A_33] : memref<3x80x128xf32, #tpu.memory_space<vmem>> -> memref<1x80x128xf32, #tpu.memory_space<vmem>>
    %dma_start3A_35 = tpu.memref_squeeze %dma_start3A_34 : memref<1x80x128xf32, #tpu.memory_space<vmem>> -> memref<80x128xf32, #tpu.memory_space<vmem>>
    %dma_start3A_36 = arith.constant 0 : i32
    %dma_start3A_37 = tpu.memref_slice %arg3[%add3A_21, %dma_start3A_36] : memref<320000x128xf32, #tpu.memory_space<hbm>> -> memref<80x128xf32, #tpu.memory_space<hbm>>
    tpu.enqueue_dma source(%dma_start3A_37 : memref<80x128xf32, #tpu.memory_space<hbm>>) target(%dma_start3A_35 : memref<80x128xf32, #tpu.memory_space<vmem>>) target_semaphore(%dma_start3A_31 : memref<!tpu.dma_semaphore, #tpu.memory_space<semaphore_mem>>)
    %add3A_38 = arith.constant 160 : i32
    %add3A_39 = arith.addi %mul3A_2, %add3A_38 : i32
    %dma_start3A_40 = arith.constant 2 : i32
    %dma_start3A_41 = arith.constant 2 : i32
    %dma_start3A_42 = arith.constant 0 : i32
    %dma_start3A_43 = arith.constant 0 : i32
    %dma_start3A_44 = tpu.memref_slice %arg7[%dma_start3A_40, %dma_start3A_42, %dma_start3A_43] : memref<3x80x128xf32, #tpu.memory_space<vmem>> -> memref<1x80x128xf32, #tpu.memory_space<vmem>>
    %dma_start3A_45 = tpu.memref_squeeze %dma_start3A_44 : memref<1x80x128xf32, #tpu.memory_space<vmem>> -> memref<80x128xf32, #tpu.memory_space<vmem>>
    %dma_start3A_46 = arith.constant 0 : i32
    %dma_start3A_47 = tpu.memref_slice %arg3[%add3A_39, %dma_start3A_46] : memref<320000x128xf32, #tpu.memory_space<hbm>> -> memref<80x128xf32, #tpu.memory_space<hbm>>
    %dma_start3A_48 = tpu.memref_slice %arg9[%dma_start3A_41] : memref<3x!tpu.dma_semaphore, #tpu.memory_space<semaphore_mem>> -> memref<1x!tpu.dma_semaphore, #tpu.memory_space<semaphore_mem>>
    %dma_start3A_49 = tpu.memref_squeeze %dma_start3A_48 : memref<1x!tpu.dma_semaphore, #tpu.memory_space<semaphore_mem>> -> memref<!tpu.dma_semaphore, #tpu.memory_space<semaphore_mem>>
    %dma_start3A_50 = arith.constant 0 : i32
    %dma_start3A_51 = arith.constant 0 : i32
    %dma_start3A_52 = tpu.memref_slice %arg7[%dma_start3A_40, %dma_start3A_50, %dma_start3A_51] : memref<3x80x128xf32, #tpu.memory_space<vmem>> -> memref<1x80x128xf32, #tpu.memory_space<vmem>>
    %dma_start3A_53 = tpu.memref_squeeze %dma_start3A_52 : memref<1x80x128xf32, #tpu.memory_space<vmem>> -> memref<80x128xf32, #tpu.memory_space<vmem>>
    %dma_start3A_54 = arith.constant 0 : i32
    %dma_start3A_55 = tpu.memref_slice %arg3[%add3A_39, %dma_start3A_54] : memref<320000x128xf32, #tpu.memory_space<hbm>> -> memref<80x128xf32, #tpu.memory_space<hbm>>
    tpu.enqueue_dma source(%dma_start3A_55 : memref<80x128xf32, #tpu.memory_space<hbm>>) target(%dma_start3A_53 : memref<80x128xf32, #tpu.memory_space<vmem>>) target_semaphore(%dma_start3A_49 : memref<!tpu.dma_semaphore, #tpu.memory_space<semaphore_mem>>)
    %dma_start3A_56 = arith.constant 1 : i32
    %dma_start3A_57 = arith.constant 0 : i32
    %dma_start3A_58 = arith.constant 0 : i32
    %dma_start3A_59 = tpu.memref_slice %arg2[%dma_start3A_56, %add3A, %dma_start3A_57, %dma_start3A_58] : memref<2x32x125x80xi32, #tpu.memory_space<hbm>> -> memref<1x1x125x80xi32, #tpu.memory_space<hbm>>
    %dma_start3A_60 = tpu.memref_squeeze %dma_start3A_59 : memref<1x1x125x80xi32, #tpu.memory_space<hbm>> -> memref<125x80xi32, #tpu.memory_space<hbm>>
    %dma_start3A_61 = arith.constant 0 : i32
    %dma_start3A_62 = arith.constant 0 : i32
    %dma_start3A_63 = tpu.memref_slice %arg2[%dma_start3A_56, %add3A, %dma_start3A_61, %dma_start3A_62] : memref<2x32x125x80xi32, #tpu.memory_space<hbm>> -> memref<1x1x125x80xi32, #tpu.memory_space<hbm>>
    %dma_start3A_64 = tpu.memref_squeeze %dma_start3A_63 : memref<1x1x125x80xi32, #tpu.memory_space<hbm>> -> memref<125x80xi32, #tpu.memory_space<hbm>>
    tpu.enqueue_dma source(%dma_start3A_64 : memref<125x80xi32, #tpu.memory_space<hbm>>) target(%arg6 : memref<125x80xi32, #tpu.memory_space<vmem>>) target_semaphore(%arg11 : memref<!tpu.dma_semaphore, #tpu.memory_space<semaphore_mem>>)
    %broadcast_in_dim3A = arith.constant 0.000000e+00 : f32
    %broadcast_in_dim3A_65 = vector.broadcast %broadcast_in_dim3A : f32 to vector<16xf32>
    %swap3A = arith.constant 0 : i32
    %swap3A_66 = arith.index_cast %swap3A : i32 to index
    %swap3A_67 = arith.constant 0 : index
    %swap3A_68 = tpu.vector_load %arg8[%swap3A_66, %swap3A_67] {strides = array<i32>} : memref<16x128xf32, #tpu.memory_space<vmem>>, vector<1x16xf32>,
    %swap3A_69 = vector.shape_cast %swap3A_68 : vector<1x16xf32> to vector<16xf32>
    %swap3A_70 = vector.shape_cast %broadcast_in_dim3A_65 : vector<16xf32> to vector<1x16xf32>
    tpu.vector_store %arg8[%swap3A_66, %swap3A_67], %swap3A_70 {strides = array<i32>} : memref<16x128xf32, #tpu.memory_space<vmem>>, vector<1x16xf32>,
    %swap3A_71 = arith.constant 0 : i32
    %swap3A_72 = arith.index_cast %swap3A_71 : i32 to index
    %swap3A_73 = arith.constant 16 : index
    %swap3A_74 = tpu.vector_load %arg8[%swap3A_72, %swap3A_73] {strides = array<i32>} : memref<16x128xf32, #tpu.memory_space<vmem>>, vector<1x16xf32>,
    %swap3A_75 = vector.shape_cast %swap3A_74 : vector<1x16xf32> to vector<16xf32>
    %swap3A_76 = vector.shape_cast %broadcast_in_dim3A_65 : vector<16xf32> to vector<1x16xf32>
    tpu.vector_store %arg8[%swap3A_72, %swap3A_73], %swap3A_76 {strides = array<i32>} : memref<16x128xf32, #tpu.memory_space<vmem>>, vector<1x16xf32>,
    %swap3A_77 = arith.constant 0 : i32
    %swap3A_78 = arith.index_cast %swap3A_77 : i32 to index
    %swap3A_79 = arith.constant 32 : index
    %swap3A_80 = tpu.vector_load %arg8[%swap3A_78, %swap3A_79] {strides = array<i32>} : memref<16x128xf32, #tpu.memory_space<vmem>>, vector<1x16xf32>,
    %swap3A_81 = vector.shape_cast %swap3A_80 : vector<1x16xf32> to vector<16xf32>
    %swap3A_82 = vector.shape_cast %broadcast_in_dim3A_65 : vector<16xf32> to vector<1x16xf32>
    tpu.vector_store %arg8[%swap3A_78, %swap3A_79], %swap3A_82 {strides = array<i32>} : memref<16x128xf32, #tpu.memory_space<vmem>>, vector<1x16xf32>,
    %swap3A_83 = arith.constant 0 : i32
    %swap3A_84 = arith.index_cast %swap3A_83 : i32 to index
    %swap3A_85 = arith.constant 48 : index
    %swap3A_86 = tpu.vector_load %arg8[%swap3A_84, %swap3A_85] {strides = array<i32>} : memref<16x128xf32, #tpu.memory_space<vmem>>, vector<1x16xf32>,
    %swap3A_87 = vector.shape_cast %swap3A_86 : vector<1x16xf32> to vector<16xf32>
    %swap3A_88 = vector.shape_cast %broadcast_in_dim3A_65 : vector<16xf32> to vector<1x16xf32>
    tpu.vector_store %arg8[%swap3A_84, %swap3A_85], %swap3A_88 {strides = array<i32>} : memref<16x128xf32, #tpu.memory_space<vmem>>, vector<1x16xf32>,
    %swap3A_89 = arith.constant 0 : i32
    %swap3A_90 = arith.index_cast %swap3A_89 : i32 to index
    %swap3A_91 = arith.constant 64 : index
    %swap3A_92 = tpu.vector_load %arg8[%swap3A_90, %swap3A_91] {strides = array<i32>} : memref<16x128xf32, #tpu.memory_space<vmem>>, vector<1x16xf32>,
    %swap3A_93 = vector.shape_cast %swap3A_92 : vector<1x16xf32> to vector<16xf32>
    %swap3A_94 = vector.shape_cast %broadcast_in_dim3A_65 : vector<16xf32> to vector<1x16xf32>
    tpu.vector_store %arg8[%swap3A_90, %swap3A_91], %swap3A_94 {strides = array<i32>} : memref<16x128xf32, #tpu.memory_space<vmem>>, vector<1x16xf32>,
    %swap3A_95 = arith.constant 0 : i32
    %swap3A_96 = arith.index_cast %swap3A_95 : i32 to index
    %swap3A_97 = arith.constant 80 : index
    %swap3A_98 = tpu.vector_load %arg8[%swap3A_96, %swap3A_97] {strides = array<i32>} : memref<16x128xf32, #tpu.memory_space<vmem>>, vector<1x16xf32>,
    %swap3A_99 = vector.shape_cast %swap3A_98 : vector<1x16xf32> to vector<16xf32>
    %swap3A_100 = vector.shape_cast %broadcast_in_dim3A_65 : vector<16xf32> to vector<1x16xf32>
    tpu.vector_store %arg8[%swap3A_96, %swap3A_97], %swap3A_100 {strides = array<i32>} : memref<16x128xf32, #tpu.memory_space<vmem>>, vector<1x16xf32>,
    %swap3A_101 = arith.constant 0 : i32
    %swap3A_102 = arith.index_cast %swap3A_101 : i32 to index
    %swap3A_103 = arith.constant 96 : index
    %swap3A_104 = tpu.vector_load %arg8[%swap3A_102, %swap3A_103] {strides = array<i32>} : memref<16x128xf32, #tpu.memory_space<vmem>>, vector<1x16xf32>,
    %swap3A_105 = vector.shape_cast %swap3A_104 : vector<1x16xf32> to vector<16xf32>
    %swap3A_106 = vector.shape_cast %broadcast_in_dim3A_65 : vector<16xf32> to vector<1x16xf32>
    tpu.vector_store %arg8[%swap3A_102, %swap3A_103], %swap3A_106 {strides = array<i32>} : memref<16x128xf32, #tpu.memory_space<vmem>>, vector<1x16xf32>,
    %swap3A_107 = arith.constant 0 : i32
    %swap3A_108 = arith.index_cast %swap3A_107 : i32 to index
    %swap3A_109 = arith.constant 112 : index
    %swap3A_110 = tpu.vector_load %arg8[%swap3A_108, %swap3A_109] {strides = array<i32>} : memref<16x128xf32, #tpu.memory_space<vmem>>, vector<1x16xf32>,
    %swap3A_111 = vector.shape_cast %swap3A_110 : vector<1x16xf32> to vector<16xf32>
    %swap3A_112 = vector.shape_cast %broadcast_in_dim3A_65 : vector<16xf32> to vector<1x16xf32>
    tpu.vector_store %arg8[%swap3A_108, %swap3A_109], %swap3A_112 {strides = array<i32>} : memref<16x128xf32, #tpu.memory_space<vmem>>, vector<1x16xf32>,
    %swap3A_113 = arith.constant 1 : i32
    %swap3A_114 = arith.index_cast %swap3A_113 : i32 to index
    %swap3A_115 = arith.constant 0 : index
    %swap3A_116 = tpu.vector_load %arg8[%swap3A_114, %swap3A_115] {strides = array<i32>} : memref<16x128xf32, #tpu.memory_space<vmem>>, vector<1x16xf32>,
    %swap3A_117 = vector.shape_cast %swap3A_116 : vector<1x16xf32> to vector<16xf32>
    %swap3A_118 = vector.shape_cast %broadcast_in_dim3A_65 : vector<16xf32> to vector<1x16xf32>
    tpu.vector_store %arg8[%swap3A_114, %swap3A_115], %swap3A_118 {strides = array<i32>} : memref<16x128xf32, #tpu.memory_space<vmem>>, vector<1x16xf32>,
    %swap3A_119 = arith.constant 1 : i32
    %swap3A_120 = arith.index_cast %swap3A_119 : i32 to index
    %swap3A_121 = arith.constant 16 : index
    %swap3A_122 = tpu.vector_load %arg8[%swap3A_120, %swap3A_121] {strides = array<i32>} : memref<16x128xf32, #tpu.memory_space<vmem>>, vector<1x16xf32>,
    %swap3A_123 = vector.shape_cast %swap3A_122 : vector<1x16xf32> to vector<16xf32>
    %swap3A_124 = vector.shape_cast %broadcast_in_dim3A_65 : vector<16xf32> to vector<1x16xf32>
    tpu.vector_store %arg8[%swap3A_120, %swap3A_121], %swap3A_124 {strides = array<i32>} : memref<16x128xf32, #tpu.memory_space<vmem>>, vector<1x16xf32>,
    %swap3A_125 = arith.constant 1 : i32
    %swap3A_126 = arith.index_cast %swap3A_125 : i32 to index
    %swap3A_127 = arith.constant 32 : index
    %swap3A_128 = tpu.vector_load %arg8[%swap3A_126, %swap3A_127] {strides = array<i32>} : memref<16x128xf32, #tpu.memory_space<vmem>>, vector<1x16xf32>,
    %swap3A_129 = vector.shape_cast %swap3A_128 : vector<1x16xf32> to vector<16xf32>
    %swap3A_130 = vector.shape_cast %broadcast_in_dim3A_65 : vector<16xf32> to vector<1x16xf32>
    tpu.vector_store %arg8[%swap3A_126, %swap3A_127], %swap3A_130 {strides = array<i32>} : memref<16x128xf32, #tpu.memory_space<vmem>>, vector<1x16xf32>,
    %swap3A_131 = arith.constant 1 : i32
    %swap3A_132 = arith.index_cast %swap3A_131 : i32 to index
    %swap3A_133 = arith.constant 48 : index
    %swap3A_134 = tpu.vector_load %arg8[%swap3A_132, %swap3A_133] {strides = array<i32>} : memref<16x128xf32, #tpu.memory_space<vmem>>, vector<1x16xf32>,
    %swap3A_135 = vector.shape_cast %swap3A_134 : vector<1x16xf32> to vector<16xf32>
    %swap3A_136 = vector.shape_cast %broadcast_in_dim3A_65 : vector<16xf32> to vector<1x16xf32>
    tpu.vector_store %arg8[%swap3A_132, %swap3A_133], %swap3A_136 {strides = array<i32>} : memref<16x128xf32, #tpu.memory_space<vmem>>, vector<1x16xf32>,
    %swap3A_137 = arith.constant 1 : i32
    %swap3A_138 = arith.index_cast %swap3A_137 : i32 to index
    %swap3A_139 = arith.constant 64 : index
    %swap3A_140 = tpu.vector_load %arg8[%swap3A_138, %swap3A_139] {strides = array<i32>} : memref<16x128xf32, #tpu.memory_space<vmem>>, vector<1x16xf32>,
    %swap3A_141 = vector.shape_cast %swap3A_140 : vector<1x16xf32> to vector<16xf32>
    %swap3A_142 = vector.shape_cast %broadcast_in_dim3A_65 : vector<16xf32> to vector<1x16xf32>
    tpu.vector_store %arg8[%swap3A_138, %swap3A_139], %swap3A_142 {strides = array<i32>} : memref<16x128xf32, #tpu.memory_space<vmem>>, vector<1x16xf32>,
    %swap3A_143 = arith.constant 1 : i32
    %swap3A_144 = arith.index_cast %swap3A_143 : i32 to index
    %swap3A_145 = arith.constant 80 : index
    %swap3A_146 = tpu.vector_load %arg8[%swap3A_144, %swap3A_145] {strides = array<i32>} : memref<16x128xf32, #tpu.memory_space<vmem>>, vector<1x16xf32>,
    %swap3A_147 = vector.shape_cast %swap3A_146 : vector<1x16xf32> to vector<16xf32>
    %swap3A_148 = vector.shape_cast %broadcast_in_dim3A_65 : vector<16xf32> to vector<1x16xf32>
    tpu.vector_store %arg8[%swap3A_144, %swap3A_145], %swap3A_148 {strides = array<i32>} : memref<16x128xf32, #tpu.memory_space<vmem>>, vector<1x16xf32>,
    %swap3A_149 = arith.constant 1 : i32
    %swap3A_150 = arith.index_cast %swap3A_149 : i32 to index
    %swap3A_151 = arith.constant 96 : index
    %swap3A_152 = tpu.vector_load %arg8[%swap3A_150, %swap3A_151] {strides = array<i32>} : memref<16x128xf32, #tpu.memory_space<vmem>>, vector<1x16xf32>,
    %swap3A_153 = vector.shape_cast %swap3A_152 : vector<1x16xf32> to vector<16xf32>
    %swap3A_154 = vector.shape_cast %broadcast_in_dim3A_65 : vector<16xf32> to vector<1x16xf32>
    tpu.vector_store %arg8[%swap3A_150, %swap3A_151], %swap3A_154 {strides = array<i32>} : memref<16x128xf32, #tpu.memory_space<vmem>>, vector<1x16xf32>,
    %swap3A_155 = arith.constant 1 : i32
    %swap3A_156 = arith.index_cast %swap3A_155 : i32 to index
    %swap3A_157 = arith.constant 112 : index
    %swap3A_158 = tpu.vector_load %arg8[%swap3A_156, %swap3A_157] {strides = array<i32>} : memref<16x128xf32, #tpu.memory_space<vmem>>, vector<1x16xf32>,
    %swap3A_159 = vector.shape_cast %swap3A_158 : vector<1x16xf32> to vector<16xf32>
    %swap3A_160 = vector.shape_cast %broadcast_in_dim3A_65 : vector<16xf32> to vector<1x16xf32>
    tpu.vector_store %arg8[%swap3A_156, %swap3A_157], %swap3A_160 {strides = array<i32>} : memref<16x128xf32, #tpu.memory_space<vmem>>, vector<1x16xf32>,
    %swap3A_161 = arith.constant 2 : i32
    %swap3A_162 = arith.index_cast %swap3A_161 : i32 to index
    %swap3A_163 = arith.constant 0 : index
    %swap3A_164 = tpu.vector_load %arg8[%swap3A_162, %swap3A_163] {strides = array<i32>} : memref<16x128xf32, #tpu.memory_space<vmem>>, vector<1x16xf32>,
    %swap3A_165 = vector.shape_cast %swap3A_164 : vector<1x16xf32> to vector<16xf32>
    %swap3A_166 = vector.shape_cast %broadcast_in_dim3A_65 : vector<16xf32> to vector<1x16xf32>
    tpu.vector_store %arg8[%swap3A_162, %swap3A_163], %swap3A_166 {strides = array<i32>} : memref<16x128xf32, #tpu.memory_space<vmem>>, vector<1x16xf32>,
    %swap3A_167 = arith.constant 2 : i32
    %swap3A_168 = arith.index_cast %swap3A_167 : i32 to index
    %swap3A_169 = arith.constant 16 : index
    %swap3A_170 = tpu.vector_load %arg8[%swap3A_168, %swap3A_169] {strides = array<i32>} : memref<16x128xf32, #tpu.memory_space<vmem>>, vector<1x16xf32>,
    %swap3A_171 = vector.shape_cast %swap3A_170 : vector<1x16xf32> to vector<16xf32>
    %swap3A_172 = vector.shape_cast %broadcast_in_dim3A_65 : vector<16xf32> to vector<1x16xf32>
    tpu.vector_store %arg8[%swap3A_168, %swap3A_169], %swap3A_172 {strides = array<i32>} : memref<16x128xf32, #tpu.memory_space<vmem>>, vector<1x16xf32>,
    %swap3A_173 = arith.constant 2 : i32
    %swap3A_174 = arith.index_cast %swap3A_173 : i32 to index
    %swap3A_175 = arith.constant 32 : index
    %swap3A_176 = tpu.vector_load %arg8[%swap3A_174, %swap3A_175] {strides = array<i32>} : memref<16x128xf32, #tpu.memory_space<vmem>>, vector<1x16xf32>,
    %swap3A_177 = vector.shape_cast %swap3A_176 : vector<1x16xf32> to vector<16xf32>
    %swap3A_178 = vector.shape_cast %broadcast_in_dim3A_65 : vector<16xf32> to vector<1x16xf32>
    tpu.vector_store %arg8[%swap3A_174, %swap3A_175], %swap3A_178 {strides = array<i32>} : memref<16x128xf32, #tpu.memory_space<vmem>>, vector<1x16xf32>,
    %swap3A_179 = arith.constant 2 : i32
    %swap3A_180 = arith.index_cast %swap3A_179 : i32 to index
    %swap3A_181 = arith.constant 48 : index
    %swap3A_182 = tpu.vector_load %arg8[%swap3A_180, %swap3A_181] {strides = array<i32>} : memref<16x128xf32, #tpu.memory_space<vmem>>, vector<1x16xf32>,
    %swap3A_183 = vector.shape_cast %swap3A_182 : vector<1x16xf32> to vector<16xf32>
    %swap3A_184 = vector.shape_cast %broadcast_in_dim3A_65 : vector<16xf32> to vector<1x16xf32>
    tpu.vector_store %arg8[%swap3A_180, %swap3A_181], %swap3A_184 {strides = array<i32>} : memref<16x128xf32, #tpu.memory_space<vmem>>, vector<1x16xf32>,
    %swap3A_185 = arith.constant 2 : i32
    %swap3A_186 = arith.index_cast %swap3A_185 : i32 to index
    %swap3A_187 = arith.constant 64 : index
    %swap3A_188 = tpu.vector_load %arg8[%swap3A_186, %swap3A_187] {strides = array<i32>} : memref<16x128xf32, #tpu.memory_space<vmem>>, vector<1x16xf32>,
    %swap3A_189 = vector.shape_cast %swap3A_188 : vector<1x16xf32> to vector<16xf32>
    %swap3A_190 = vector.shape_cast %broadcast_in_dim3A_65 : vector<16xf32> to vector<1x16xf32>
    tpu.vector_store %arg8[%swap3A_186, %swap3A_187], %swap3A_190 {strides = array<i32>} : memref<16x128xf32, #tpu.memory_space<vmem>>, vector<1x16xf32>,
    %swap3A_191 = arith.constant 2 : i32
    %swap3A_192 = arith.index_cast %swap3A_191 : i32 to index
    %swap3A_193 = arith.constant 80 : index
    %swap3A_194 = tpu.vector_load %arg8[%swap3A_192, %swap3A_193] {strides = array<i32>} : memref<16x128xf32, #tpu.memory_space<vmem>>, vector<1x16xf32>,
    %swap3A_195 = vector.shape_cast %swap3A_194 : vector<1x16xf32> to vector<16xf32>
    %swap3A_196 = vector.shape_cast %broadcast_in_dim3A_65 : vector<16xf32> to vector<1x16xf32>
    tpu.vector_store %arg8[%swap3A_192, %swap3A_193], %swap3A_196 {strides = array<i32>} : memref<16x128xf32, #tpu.memory_space<vmem>>, vector<1x16xf32>,
    %swap3A_197 = arith.constant 2 : i32
    %swap3A_198 = arith.index_cast %swap3A_197 : i32 to index
    %swap3A_199 = arith.constant 96 : index
    %swap3A_200 = tpu.vector_load %arg8[%swap3A_198, %swap3A_199] {strides = array<i32>} : memref<16x128xf32, #tpu.memory_space<vmem>>, vector<1x16xf32>,
    %swap3A_201 = vector.shape_cast %swap3A_200 : vector<1x16xf32> to vector<16xf32>
    %swap3A_202 = vector.shape_cast %broadcast_in_dim3A_65 : vector<16xf32> to vector<1x16xf32>
    tpu.vector_store %arg8[%swap3A_198, %swap3A_199], %swap3A_202 {strides = array<i32>} : memref<16x128xf32, #tpu.memory_space<vmem>>, vector<1x16xf32>,
    %swap3A_203 = arith.constant 2 : i32
    %swap3A_204 = arith.index_cast %swap3A_203 : i32 to index
    %swap3A_205 = arith.constant 112 : index
    %swap3A_206 = tpu.vector_load %arg8[%swap3A_204, %swap3A_205] {strides = array<i32>} : memref<16x128xf32, #tpu.memory_space<vmem>>, vector<1x16xf32>,
    %swap3A_207 = vector.shape_cast %swap3A_206 : vector<1x16xf32> to vector<16xf32>
    %swap3A_208 = vector.shape_cast %broadcast_in_dim3A_65 : vector<16xf32> to vector<1x16xf32>
    tpu.vector_store %arg8[%swap3A_204, %swap3A_205], %swap3A_208 {strides = array<i32>} : memref<16x128xf32, #tpu.memory_space<vmem>>, vector<1x16xf32>,
    %swap3A_209 = arith.constant 3 : i32
    %swap3A_210 = arith.index_cast %swap3A_209 : i32 to index
    %swap3A_211 = arith.constant 0 : index
    %swap3A_212 = tpu.vector_load %arg8[%swap3A_210, %swap3A_211] {strides = array<i32>} : memref<16x128xf32, #tpu.memory_space<vmem>>, vector<1x16xf32>,
    %swap3A_213 = vector.shape_cast %swap3A_212 : vector<1x16xf32> to vector<16xf32>
    %swap3A_214 = vector.shape_cast %broadcast_in_dim3A_65 : vector<16xf32> to vector<1x16xf32>
    tpu.vector_store %arg8[%swap3A_210, %swap3A_211], %swap3A_214 {strides = array<i32>} : memref<16x128xf32, #tpu.memory_space<vmem>>, vector<1x16xf32>,
    %swap3A_215 = arith.constant 3 : i32
    %swap3A_216 = arith.index_cast %swap3A_215 : i32 to index
    %swap3A_217 = arith.constant 16 : index
    %swap3A_218 = tpu.vector_load %arg8[%swap3A_216, %swap3A_217] {strides = array<i32>} : memref<16x128xf32, #tpu.memory_space<vmem>>, vector<1x16xf32>,
    %swap3A_219 = vector.shape_cast %swap3A_218 : vector<1x16xf32> to vector<16xf32>
    %swap3A_220 = vector.shape_cast %broadcast_in_dim3A_65 : vector<16xf32> to vector<1x16xf32>
    tpu.vector_store %arg8[%swap3A_216, %swap3A_217], %swap3A_220 {strides = array<i32>} : memref<16x128xf32, #tpu.memory_space<vmem>>, vector<1x16xf32>,
    %swap3A_221 = arith.constant 3 : i32
    %swap3A_222 = arith.index_cast %swap3A_221 : i32 to index
    %swap3A_223 = arith.constant 32 : index
    %swap3A_224 = tpu.vector_load %arg8[%swap3A_222, %swap3A_223] {strides = array<i32>} : memref<16x128xf32, #tpu.memory_space<vmem>>, vector<1x16xf32>,
    %swap3A_225 = vector.shape_cast %swap3A_224 : vector<1x16xf32> to vector<16xf32>
    %swap3A_226 = vector.shape_cast %broadcast_in_dim3A_65 : vector<16xf32> to vector<1x16xf32>
    tpu.vector_store %arg8[%swap3A_222, %swap3A_223], %swap3A_226 {strides = array<i32>} : memref<16x128xf32, #tpu.memory_space<vmem>>, vector<1x16xf32>,
    %swap3A_227 = arith.constant 3 : i32
    %swap3A_228 = arith.index_cast %swap3A_227 : i32 to index
    %swap3A_229 = arith.constant 48 : index
    %swap3A_230 = tpu.vector_load %arg8[%swap3A_228, %swap3A_229] {strides = array<i32>} : memref<16x128xf32, #tpu.memory_space<vmem>>, vector<1x16xf32>,
    %swap3A_231 = vector.shape_cast %swap3A_230 : vector<1x16xf32> to vector<16xf32>
    %swap3A_232 = vector.shape_cast %broadcast_in_dim3A_65 : vector<16xf32> to vector<1x16xf32>
    tpu.vector_store %arg8[%swap3A_228, %swap3A_229], %swap3A_232 {strides = array<i32>} : memref<16x128xf32, #tpu.memory_space<vmem>>, vector<1x16xf32>,
    %swap3A_233 = arith.constant 3 : i32
    %swap3A_234 = arith.index_cast %swap3A_233 : i32 to index
    %swap3A_235 = arith.constant 64 : index
    %swap3A_236 = tpu.vector_load %arg8[%swap3A_234, %swap3A_235] {strides = array<i32>} : memref<16x128xf32, #tpu.memory_space<vmem>>, vector<1x16xf32>,
    %swap3A_237 = vector.shape_cast %swap3A_236 : vector<1x16xf32> to vector<16xf32>
    %swap3A_238 = vector.shape_cast %broadcast_in_dim3A_65 : vector<16xf32> to vector<1x16xf32>
    tpu.vector_store %arg8[%swap3A_234, %swap3A_235], %swap3A_238 {strides = array<i32>} : memref<16x128xf32, #tpu.memory_space<vmem>>, vector<1x16xf32>,
    %swap3A_239 = arith.constant 3 : i32
    %swap3A_240 = arith.index_cast %swap3A_239 : i32 to index
    %swap3A_241 = arith.constant 80 : index
    %swap3A_242 = tpu.vector_load %arg8[%swap3A_240, %swap3A_241] {strides = array<i32>} : memref<16x128xf32, #tpu.memory_space<vmem>>, vector<1x16xf32>,
    %swap3A_243 = vector.shape_cast %swap3A_242 : vector<1x16xf32> to vector<16xf32>
    %swap3A_244 = vector.shape_cast %broadcast_in_dim3A_65 : vector<16xf32> to vector<1x16xf32>
    tpu.vector_store %arg8[%swap3A_240, %swap3A_241], %swap3A_244 {strides = array<i32>} : memref<16x128xf32, #tpu.memory_space<vmem>>, vector<1x16xf32>,
    %swap3A_245 = arith.constant 3 : i32
    %swap3A_246 = arith.index_cast %swap3A_245 : i32 to index
    %swap3A_247 = arith.constant 96 : index
    %swap3A_248 = tpu.vector_load %arg8[%swap3A_246, %swap3A_247] {strides = array<i32>} : memref<16x128xf32, #tpu.memory_space<vmem>>, vector<1x16xf32>,
    %swap3A_249 = vector.shape_cast %swap3A_248 : vector<1x16xf32> to vector<16xf32>
    %swap3A_250 = vector.shape_cast %broadcast_in_dim3A_65 : vector<16xf32> to vector<1x16xf32>
    tpu.vector_store %arg8[%swap3A_246, %swap3A_247], %swap3A_250 {strides = array<i32>} : memref<16x128xf32, #tpu.memory_space<vmem>>, vector<1x16xf32>,
    %swap3A_251 = arith.constant 3 : i32
    %swap3A_252 = arith.index_cast %swap3A_251 : i32 to index
    %swap3A_253 = arith.constant 112 : index
    %swap3A_254 = tpu.vector_load %arg8[%swap3A_252, %swap3A_253] {strides = array<i32>} : memref<16x128xf32, #tpu.memory_space<vmem>>, vector<1x16xf32>,
    %swap3A_255 = vector.shape_cast %swap3A_254 : vector<1x16xf32> to vector<16xf32>
    %swap3A_256 = vector.shape_cast %broadcast_in_dim3A_65 : vector<16xf32> to vector<1x16xf32>
    tpu.vector_store %arg8[%swap3A_252, %swap3A_253], %swap3A_256 {strides = array<i32>} : memref<16x128xf32, #tpu.memory_space<vmem>>, vector<1x16xf32>,
    %swap3A_257 = arith.constant 4 : i32
    %swap3A_258 = arith.index_cast %swap3A_257 : i32 to index
    %swap3A_259 = arith.constant 0 : index
    %swap3A_260 = tpu.vector_load %arg8[%swap3A_258, %swap3A_259] {strides = array<i32>} : memref<16x128xf32, #tpu.memory_space<vmem>>, vector<1x16xf32>,
    %swap3A_261 = vector.shape_cast %swap3A_260 : vector<1x16xf32> to vector<16xf32>
    %swap3A_262 = vector.shape_cast %broadcast_in_dim3A_65 : vector<16xf32> to vector<1x16xf32>
    tpu.vector_store %arg8[%swap3A_258, %swap3A_259], %swap3A_262 {strides = array<i32>} : memref<16x128xf32, #tpu.memory_space<vmem>>, vector<1x16xf32>,
    %swap3A_263 = arith.constant 4 : i32
    %swap3A_264 = arith.index_cast %swap3A_263 : i32 to index
    %swap3A_265 = arith.constant 16 : index
    %swap3A_266 = tpu.vector_load %arg8[%swap3A_264, %swap3A_265] {strides = array<i32>} : memref<16x128xf32, #tpu.memory_space<vmem>>, vector<1x16xf32>,
    %swap3A_267 = vector.shape_cast %swap3A_266 : vector<1x16xf32> to vector<16xf32>
    %swap3A_268 = vector.shape_cast %broadcast_in_dim3A_65 : vector<16xf32> to vector<1x16xf32>
    tpu.vector_store %arg8[%swap3A_264, %swap3A_265], %swap3A_268 {strides = array<i32>} : memref<16x128xf32, #tpu.memory_space<vmem>>, vector<1x16xf32>,
    %swap3A_269 = arith.constant 4 : i32
    %swap3A_270 = arith.index_cast %swap3A_269 : i32 to index
    %swap3A_271 = arith.constant 32 : index
    %swap3A_272 = tpu.vector_load %arg8[%swap3A_270, %swap3A_271] {strides = array<i32>} : memref<16x128xf32, #tpu.memory_space<vmem>>, vector<1x16xf32>,
    %swap3A_273 = vector.shape_cast %swap3A_272 : vector<1x16xf32> to vector<16xf32>
    %swap3A_274 = vector.shape_cast %broadcast_in_dim3A_65 : vector<16xf32> to vector<1x16xf32>
    tpu.vector_store %arg8[%swap3A_270, %swap3A_271], %swap3A_274 {strides = array<i32>} : memref<16x128xf32, #tpu.memory_space<vmem>>, vector<1x16xf32>,
    %swap3A_275 = arith.constant 4 : i32
    %swap3A_276 = arith.index_cast %swap3A_275 : i32 to index
    %swap3A_277 = arith.constant 48 : index
    %swap3A_278 = tpu.vector_load %arg8[%swap3A_276, %swap3A_277] {strides = array<i32>} : memref<16x128xf32, #tpu.memory_space<vmem>>, vector<1x16xf32>,
    %swap3A_279 = vector.shape_cast %swap3A_278 : vector<1x16xf32> to vector<16xf32>
    %swap3A_280 = vector.shape_cast %broadcast_in_dim3A_65 : vector<16xf32> to vector<1x16xf32>
    tpu.vector_store %arg8[%swap3A_276, %swap3A_277], %swap3A_280 {strides = array<i32>} : memref<16x128xf32, #tpu.memory_space<vmem>>, vector<1x16xf32>,
    %swap3A_281 = arith.constant 4 : i32
    %swap3A_282 = arith.index_cast %swap3A_281 : i32 to index
    %swap3A_283 = arith.constant 64 : index
    %swap3A_284 = tpu.vector_load %arg8[%swap3A_282, %swap3A_283] {strides = array<i32>} : memref<16x128xf32, #tpu.memory_space<vmem>>, vector<1x16xf32>,
    %swap3A_285 = vector.shape_cast %swap3A_284 : vector<1x16xf32> to vector<16xf32>
    %swap3A_286 = vector.shape_cast %broadcast_in_dim3A_65 : vector<16xf32> to vector<1x16xf32>
    tpu.vector_store %arg8[%swap3A_282, %swap3A_283], %swap3A_286 {strides = array<i32>} : memref<16x128xf32, #tpu.memory_space<vmem>>, vector<1x16xf32>,
    %swap3A_287 = arith.constant 4 : i32
    %swap3A_288 = arith.index_cast %swap3A_287 : i32 to index
    %swap3A_289 = arith.constant 80 : index
    %swap3A_290 = tpu.vector_load %arg8[%swap3A_288, %swap3A_289] {strides = array<i32>} : memref<16x128xf32, #tpu.memory_space<vmem>>, vector<1x16xf32>,
    %swap3A_291 = vector.shape_cast %swap3A_290 : vector<1x16xf32> to vector<16xf32>
    %swap3A_292 = vector.shape_cast %broadcast_in_dim3A_65 : vector<16xf32> to vector<1x16xf32>
    tpu.vector_store %arg8[%swap3A_288, %swap3A_289], %swap3A_292 {strides = array<i32>} : memref<16x128xf32, #tpu.memory_space<vmem>>, vector<1x16xf32>,
    %swap3A_293 = arith.constant 4 : i32
    %swap3A_294 = arith.index_cast %swap3A_293 : i32 to index
    %swap3A_295 = arith.constant 96 : index
    %swap3A_296 = tpu.vector_load %arg8[%swap3A_294, %swap3A_295] {strides = array<i32>} : memref<16x128xf32, #tpu.memory_space<vmem>>, vector<1x16xf32>,
    %swap3A_297 = vector.shape_cast %swap3A_296 : vector<1x16xf32> to vector<16xf32>
    %swap3A_298 = vector.shape_cast %broadcast_in_dim3A_65 : vector<16xf32> to vector<1x16xf32>
    tpu.vector_store %arg8[%swap3A_294, %swap3A_295], %swap3A_298 {strides = array<i32>} : memref<16x128xf32, #tpu.memory_space<vmem>>, vector<1x16xf32>,
    %swap3A_299 = arith.constant 4 : i32
    %swap3A_300 = arith.index_cast %swap3A_299 : i32 to index
    %swap3A_301 = arith.constant 112 : index
    %swap3A_302 = tpu.vector_load %arg8[%swap3A_300, %swap3A_301] {strides = array<i32>} : memref<16x128xf32, #tpu.memory_space<vmem>>, vector<1x16xf32>,
    %swap3A_303 = vector.shape_cast %swap3A_302 : vector<1x16xf32> to vector<16xf32>
    %swap3A_304 = vector.shape_cast %broadcast_in_dim3A_65 : vector<16xf32> to vector<1x16xf32>
    tpu.vector_store %arg8[%swap3A_300, %swap3A_301], %swap3A_304 {strides = array<i32>} : memref<16x128xf32, #tpu.memory_space<vmem>>, vector<1x16xf32>,
    %swap3A_305 = arith.constant 5 : i32
    %swap3A_306 = arith.index_cast %swap3A_305 : i32 to index
    %swap3A_307 = arith.constant 0 : index
    %swap3A_308 = tpu.vector_load %arg8[%swap3A_306, %swap3A_307] {strides = array<i32>} : memref<16x128xf32, #tpu.memory_space<vmem>>, vector<1x16xf32>,
    %swap3A_309 = vector.shape_cast %swap3A_308 : vector<1x16xf32> to vector<16xf32>
    %swap3A_310 = vector.shape_cast %broadcast_in_dim3A_65 : vector<16xf32> to vector<1x16xf32>
    tpu.vector_store %arg8[%swap3A_306, %swap3A_307], %swap3A_310 {strides = array<i32>} : memref<16x128xf32, #tpu.memory_space<vmem>>, vector<1x16xf32>,
    %swap3A_311 = arith.constant 5 : i32
    %swap3A_312 = arith.index_cast %swap3A_311 : i32 to index
    %swap3A_313 = arith.constant 16 : index
    %swap3A_314 = tpu.vector_load %arg8[%swap3A_312, %swap3A_313] {strides = array<i32>} : memref<16x128xf32, #tpu.memory_space<vmem>>, vector<1x16xf32>,
    %swap3A_315 = vector.shape_cast %swap3A_314 : vector<1x16xf32> to vector<16xf32>
    %swap3A_316 = vector.shape_cast %broadcast_in_dim3A_65 : vector<16xf32> to vector<1x16xf32>
    tpu.vector_store %arg8[%swap3A_312, %swap3A_313], %swap3A_316 {strides = array<i32>} : memref<16x128xf32, #tpu.memory_space<vmem>>, vector<1x16xf32>,
    %swap3A_317 = arith.constant 5 : i32
    %swap3A_318 = arith.index_cast %swap3A_317 : i32 to index
    %swap3A_319 = arith.constant 32 : index
    %swap3A_320 = tpu.vector_load %arg8[%swap3A_318, %swap3A_319] {strides = array<i32>} : memref<16x128xf32, #tpu.memory_space<vmem>>, vector<1x16xf32>,
    %swap3A_321 = vector.shape_cast %swap3A_320 : vector<1x16xf32> to vector<16xf32>
    %swap3A_322 = vector.shape_cast %broadcast_in_dim3A_65 : vector<16xf32> to vector<1x16xf32>
    tpu.vector_store %arg8[%swap3A_318, %swap3A_319], %swap3A_322 {strides = array<i32>} : memref<16x128xf32, #tpu.memory_space<vmem>>, vector<1x16xf32>,
    %swap3A_323 = arith.constant 5 : i32
    %swap3A_324 = arith.index_cast %swap3A_323 : i32 to index
    %swap3A_325 = arith.constant 48 : index
    %swap3A_326 = tpu.vector_load %arg8[%swap3A_324, %swap3A_325] {strides = array<i32>} : memref<16x128xf32, #tpu.memory_space<vmem>>, vector<1x16xf32>,
    %swap3A_327 = vector.shape_cast %swap3A_326 : vector<1x16xf32> to vector<16xf32>
    %swap3A_328 = vector.shape_cast %broadcast_in_dim3A_65 : vector<16xf32> to vector<1x16xf32>
    tpu.vector_store %arg8[%swap3A_324, %swap3A_325], %swap3A_328 {strides = array<i32>} : memref<16x128xf32, #tpu.memory_space<vmem>>, vector<1x16xf32>,
    %swap3A_329 = arith.constant 5 : i32
    %swap3A_330 = arith.index_cast %swap3A_329 : i32 to index
    %swap3A_331 = arith.constant 64 : index
    %swap3A_332 = tpu.vector_load %arg8[%swap3A_330, %swap3A_331] {strides = array<i32>} : memref<16x128xf32, #tpu.memory_space<vmem>>, vector<1x16xf32>,
    %swap3A_333 = vector.shape_cast %swap3A_332 : vector<1x16xf32> to vector<16xf32>
    %swap3A_334 = vector.shape_cast %broadcast_in_dim3A_65 : vector<16xf32> to vector<1x16xf32>
    tpu.vector_store %arg8[%swap3A_330, %swap3A_331], %swap3A_334 {strides = array<i32>} : memref<16x128xf32, #tpu.memory_space<vmem>>, vector<1x16xf32>,
    %swap3A_335 = arith.constant 5 : i32
    %swap3A_336 = arith.index_cast %swap3A_335 : i32 to index
    %swap3A_337 = arith.constant 80 : index
    %swap3A_338 = tpu.vector_load %arg8[%swap3A_336, %swap3A_337] {strides = array<i32>} : memref<16x128xf32, #tpu.memory_space<vmem>>, vector<1x16xf32>,
    %swap3A_339 = vector.shape_cast %swap3A_338 : vector<1x16xf32> to vector<16xf32>
    %swap3A_340 = vector.shape_cast %broadcast_in_dim3A_65 : vector<16xf32> to vector<1x16xf32>
    tpu.vector_store %arg8[%swap3A_336, %swap3A_337], %swap3A_340 {strides = array<i32>} : memref<16x128xf32, #tpu.memory_space<vmem>>, vector<1x16xf32>,
    %swap3A_341 = arith.constant 5 : i32
    %swap3A_342 = arith.index_cast %swap3A_341 : i32 to index
    %swap3A_343 = arith.constant 96 : index
    %swap3A_344 = tpu.vector_load %arg8[%swap3A_342, %swap3A_343] {strides = array<i32>} : memref<16x128xf32, #tpu.memory_space<vmem>>, vector<1x16xf32>,
    %swap3A_345 = vector.shape_cast %swap3A_344 : vector<1x16xf32> to vector<16xf32>
    %swap3A_346 = vector.shape_cast %broadcast_in_dim3A_65 : vector<16xf32> to vector<1x16xf32>
    tpu.vector_store %arg8[%swap3A_342, %swap3A_343], %swap3A_346 {strides = array<i32>} : memref<16x128xf32, #tpu.memory_space<vmem>>, vector<1x16xf32>,
    %swap3A_347 = arith.constant 5 : i32
    %swap3A_348 = arith.index_cast %swap3A_347 : i32 to index
    %swap3A_349 = arith.constant 112 : index
    %swap3A_350 = tpu.vector_load %arg8[%swap3A_348, %swap3A_349] {strides = array<i32>} : memref<16x128xf32, #tpu.memory_space<vmem>>, vector<1x16xf32>,
    %swap3A_351 = vector.shape_cast %swap3A_350 : vector<1x16xf32> to vector<16xf32>
    %swap3A_352 = vector.shape_cast %broadcast_in_dim3A_65 : vector<16xf32> to vector<1x16xf32>
    tpu.vector_store %arg8[%swap3A_348, %swap3A_349], %swap3A_352 {strides = array<i32>} : memref<16x128xf32, #tpu.memory_space<vmem>>, vector<1x16xf32>,
    %swap3A_353 = arith.constant 6 : i32
    %swap3A_354 = arith.index_cast %swap3A_353 : i32 to index
    %swap3A_355 = arith.constant 0 : index
    %swap3A_356 = tpu.vector_load %arg8[%swap3A_354, %swap3A_355] {strides = array<i32>} : memref<16x128xf32, #tpu.memory_space<vmem>>, vector<1x16xf32>,
    %swap3A_357 = vector.shape_cast %swap3A_356 : vector<1x16xf32> to vector<16xf32>
    %swap3A_358 = vector.shape_cast %broadcast_in_dim3A_65 : vector<16xf32> to vector<1x16xf32>
    tpu.vector_store %arg8[%swap3A_354, %swap3A_355], %swap3A_358 {strides = array<i32>} : memref<16x128xf32, #tpu.memory_space<vmem>>, vector<1x16xf32>,
    %swap3A_359 = arith.constant 6 : i32
    %swap3A_360 = arith.index_cast %swap3A_359 : i32 to index
    %swap3A_361 = arith.constant 16 : index
    %swap3A_362 = tpu.vector_load %arg8[%swap3A_360, %swap3A_361] {strides = array<i32>} : memref<16x128xf32, #tpu.memory_space<vmem>>, vector<1x16xf32>,
    %swap3A_363 = vector.shape_cast %swap3A_362 : vector<1x16xf32> to vector<16xf32>
    %swap3A_364 = vector.shape_cast %broadcast_in_dim3A_65 : vector<16xf32> to vector<1x16xf32>
    tpu.vector_store %arg8[%swap3A_360, %swap3A_361], %swap3A_364 {strides = array<i32>} : memref<16x128xf32, #tpu.memory_space<vmem>>, vector<1x16xf32>,
    %swap3A_365 = arith.constant 6 : i32
    %swap3A_366 = arith.index_cast %swap3A_365 : i32 to index
    %swap3A_367 = arith.constant 32 : index
    %swap3A_368 = tpu.vector_load %arg8[%swap3A_366, %swap3A_367] {strides = array<i32>} : memref<16x128xf32, #tpu.memory_space<vmem>>, vector<1x16xf32>,
    %swap3A_369 = vector.shape_cast %swap3A_368 : vector<1x16xf32> to vector<16xf32>
    %swap3A_370 = vector.shape_cast %broadcast_in_dim3A_65 : vector<16xf32> to vector<1x16xf32>
    tpu.vector_store %arg8[%swap3A_366, %swap3A_367], %swap3A_370 {strides = array<i32>} : memref<16x128xf32, #tpu.memory_space<vmem>>, vector<1x16xf32>,
    %swap3A_371 = arith.constant 6 : i32
    %swap3A_372 = arith.index_cast %swap3A_371 : i32 to index
    %swap3A_373 = arith.constant 48 : index
    %swap3A_374 = tpu.vector_load %arg8[%swap3A_372, %swap3A_373] {strides = array<i32>} : memref<16x128xf32, #tpu.memory_space<vmem>>, vector<1x16xf32>,
    %swap3A_375 = vector.shape_cast %swap3A_374 : vector<1x16xf32> to vector<16xf32>
    %swap3A_376 = vector.shape_cast %broadcast_in_dim3A_65 : vector<16xf32> to vector<1x16xf32>
    tpu.vector_store %arg8[%swap3A_372, %swap3A_373], %swap3A_376 {strides = array<i32>} : memref<16x128xf32, #tpu.memory_space<vmem>>, vector<1x16xf32>,
    %swap3A_377 = arith.constant 6 : i32
    %swap3A_378 = arith.index_cast %swap3A_377 : i32 to index
    %swap3A_379 = arith.constant 64 : index
    %swap3A_380 = tpu.vector_load %arg8[%swap3A_378, %swap3A_379] {strides = array<i32>} : memref<16x128xf32, #tpu.memory_space<vmem>>, vector<1x16xf32>,
    %swap3A_381 = vector.shape_cast %swap3A_380 : vector<1x16xf32> to vector<16xf32>
    %swap3A_382 = vector.shape_cast %broadcast_in_dim3A_65 : vector<16xf32> to vector<1x16xf32>
    tpu.vector_store %arg8[%swap3A_378, %swap3A_379], %swap3A_382 {strides = array<i32>} : memref<16x128xf32, #tpu.memory_space<vmem>>, vector<1x16xf32>,
    %swap3A_383 = arith.constant 6 : i32
    %swap3A_384 = arith.index_cast %swap3A_383 : i32 to index
    %swap3A_385 = arith.constant 80 : index
    %swap3A_386 = tpu.vector_load %arg8[%swap3A_384, %swap3A_385] {strides = array<i32>} : memref<16x128xf32, #tpu.memory_space<vmem>>, vector<1x16xf32>,
    %swap3A_387 = vector.shape_cast %swap3A_386 : vector<1x16xf32> to vector<16xf32>
    %swap3A_388 = vector.shape_cast %broadcast_in_dim3A_65 : vector<16xf32> to vector<1x16xf32>
    tpu.vector_store %arg8[%swap3A_384, %swap3A_385], %swap3A_388 {strides = array<i32>} : memref<16x128xf32, #tpu.memory_space<vmem>>, vector<1x16xf32>,
    %swap3A_389 = arith.constant 6 : i32
    %swap3A_390 = arith.index_cast %swap3A_389 : i32 to index
    %swap3A_391 = arith.constant 96 : index
    %swap3A_392 = tpu.vector_load %arg8[%swap3A_390, %swap3A_391] {strides = array<i32>} : memref<16x128xf32, #tpu.memory_space<vmem>>, vector<1x16xf32>,
    %swap3A_393 = vector.shape_cast %swap3A_392 : vector<1x16xf32> to vector<16xf32>
    %swap3A_394 = vector.shape_cast %broadcast_in_dim3A_65 : vector<16xf32> to vector<1x16xf32>
    tpu.vector_store %arg8[%swap3A_390, %swap3A_391], %swap3A_394 {strides = array<i32>} : memref<16x128xf32, #tpu.memory_space<vmem>>, vector<1x16xf32>,
    %swap3A_395 = arith.constant 6 : i32
    %swap3A_396 = arith.index_cast %swap3A_395 : i32 to index
    %swap3A_397 = arith.constant 112 : index
    %swap3A_398 = tpu.vector_load %arg8[%swap3A_396, %swap3A_397] {strides = array<i32>} : memref<16x128xf32, #tpu.memory_space<vmem>>, vector<1x16xf32>,
    %swap3A_399 = vector.shape_cast %swap3A_398 : vector<1x16xf32> to vector<16xf32>
    %swap3A_400 = vector.shape_cast %broadcast_in_dim3A_65 : vector<16xf32> to vector<1x16xf32>
    tpu.vector_store %arg8[%swap3A_396, %swap3A_397], %swap3A_400 {strides = array<i32>} : memref<16x128xf32, #tpu.memory_space<vmem>>, vector<1x16xf32>,
    %swap3A_401 = arith.constant 7 : i32
    %swap3A_402 = arith.index_cast %swap3A_401 : i32 to index
    %swap3A_403 = arith.constant 0 : index
    %swap3A_404 = tpu.vector_load %arg8[%swap3A_402, %swap3A_403] {strides = array<i32>} : memref<16x128xf32, #tpu.memory_space<vmem>>, vector<1x16xf32>,
    %swap3A_405 = vector.shape_cast %swap3A_404 : vector<1x16xf32> to vector<16xf32>
    %swap3A_406 = vector.shape_cast %broadcast_in_dim3A_65 : vector<16xf32> to vector<1x16xf32>
    tpu.vector_store %arg8[%swap3A_402, %swap3A_403], %swap3A_406 {strides = array<i32>} : memref<16x128xf32, #tpu.memory_space<vmem>>, vector<1x16xf32>,
    %swap3A_407 = arith.constant 7 : i32
    %swap3A_408 = arith.index_cast %swap3A_407 : i32 to index
    %swap3A_409 = arith.constant 16 : index
    %swap3A_410 = tpu.vector_load %arg8[%swap3A_408, %swap3A_409] {strides = array<i32>} : memref<16x128xf32, #tpu.memory_space<vmem>>, vector<1x16xf32>,
    %swap3A_411 = vector.shape_cast %swap3A_410 : vector<1x16xf32> to vector<16xf32>
    %swap3A_412 = vector.shape_cast %broadcast_in_dim3A_65 : vector<16xf32> to vector<1x16xf32>
    tpu.vector_store %arg8[%swap3A_408, %swap3A_409], %swap3A_412 {strides = array<i32>} : memref<16x128xf32, #tpu.memory_space<vmem>>, vector<1x16xf32>,
    %swap3A_413 = arith.constant 7 : i32
    %swap3A_414 = arith.index_cast %swap3A_413 : i32 to index
    %swap3A_415 = arith.constant 32 : index
    %swap3A_416 = tpu.vector_load %arg8[%swap3A_414, %swap3A_415] {strides = array<i32>} : memref<16x128xf32, #tpu.memory_space<vmem>>, vector<1x16xf32>,
    %swap3A_417 = vector.shape_cast %swap3A_416 : vector<1x16xf32> to vector<16xf32>
    %swap3A_418 = vector.shape_cast %broadcast_in_dim3A_65 : vector<16xf32> to vector<1x16xf32>
    tpu.vector_store %arg8[%swap3A_414, %swap3A_415], %swap3A_418 {strides = array<i32>} : memref<16x128xf32, #tpu.memory_space<vmem>>, vector<1x16xf32>,
    %swap3A_419 = arith.constant 7 : i32
    %swap3A_420 = arith.index_cast %swap3A_419 : i32 to index
    %swap3A_421 = arith.constant 48 : index
    %swap3A_422 = tpu.vector_load %arg8[%swap3A_420, %swap3A_421] {strides = array<i32>} : memref<16x128xf32, #tpu.memory_space<vmem>>, vector<1x16xf32>,
    %swap3A_423 = vector.shape_cast %swap3A_422 : vector<1x16xf32> to vector<16xf32>
    %swap3A_424 = vector.shape_cast %broadcast_in_dim3A_65 : vector<16xf32> to vector<1x16xf32>
    tpu.vector_store %arg8[%swap3A_420, %swap3A_421], %swap3A_424 {strides = array<i32>} : memref<16x128xf32, #tpu.memory_space<vmem>>, vector<1x16xf32>,
    %swap3A_425 = arith.constant 7 : i32
    %swap3A_426 = arith.index_cast %swap3A_425 : i32 to index
    %swap3A_427 = arith.constant 64 : index
    %swap3A_428 = tpu.vector_load %arg8[%swap3A_426, %swap3A_427] {strides = array<i32>} : memref<16x128xf32, #tpu.memory_space<vmem>>, vector<1x16xf32>,
    %swap3A_429 = vector.shape_cast %swap3A_428 : vector<1x16xf32> to vector<16xf32>
    %swap3A_430 = vector.shape_cast %broadcast_in_dim3A_65 : vector<16xf32> to vector<1x16xf32>
    tpu.vector_store %arg8[%swap3A_426, %swap3A_427], %swap3A_430 {strides = array<i32>} : memref<16x128xf32, #tpu.memory_space<vmem>>, vector<1x16xf32>,
    %swap3A_431 = arith.constant 7 : i32
    %swap3A_432 = arith.index_cast %swap3A_431 : i32 to index
    %swap3A_433 = arith.constant 80 : index
    %swap3A_434 = tpu.vector_load %arg8[%swap3A_432, %swap3A_433] {strides = array<i32>} : memref<16x128xf32, #tpu.memory_space<vmem>>, vector<1x16xf32>,
    %swap3A_435 = vector.shape_cast %swap3A_434 : vector<1x16xf32> to vector<16xf32>
    %swap3A_436 = vector.shape_cast %broadcast_in_dim3A_65 : vector<16xf32> to vector<1x16xf32>
    tpu.vector_store %arg8[%swap3A_432, %swap3A_433], %swap3A_436 {strides = array<i32>} : memref<16x128xf32, #tpu.memory_space<vmem>>, vector<1x16xf32>,
    %swap3A_437 = arith.constant 7 : i32
    %swap3A_438 = arith.index_cast %swap3A_437 : i32 to index
    %swap3A_439 = arith.constant 96 : index
    %swap3A_440 = tpu.vector_load %arg8[%swap3A_438, %swap3A_439] {strides = array<i32>} : memref<16x128xf32, #tpu.memory_space<vmem>>, vector<1x16xf32>,
    %swap3A_441 = vector.shape_cast %swap3A_440 : vector<1x16xf32> to vector<16xf32>
    %swap3A_442 = vector.shape_cast %broadcast_in_dim3A_65 : vector<16xf32> to vector<1x16xf32>
    tpu.vector_store %arg8[%swap3A_438, %swap3A_439], %swap3A_442 {strides = array<i32>} : memref<16x128xf32, #tpu.memory_space<vmem>>, vector<1x16xf32>,
    %swap3A_443 = arith.constant 7 : i32
    %swap3A_444 = arith.index_cast %swap3A_443 : i32 to index
    %swap3A_445 = arith.constant 112 : index
    %swap3A_446 = tpu.vector_load %arg8[%swap3A_444, %swap3A_445] {strides = array<i32>} : memref<16x128xf32, #tpu.memory_space<vmem>>, vector<1x16xf32>,
    %swap3A_447 = vector.shape_cast %swap3A_446 : vector<1x16xf32> to vector<16xf32>
    %swap3A_448 = vector.shape_cast %broadcast_in_dim3A_65 : vector<16xf32> to vector<1x16xf32>
    tpu.vector_store %arg8[%swap3A_444, %swap3A_445], %swap3A_448 {strides = array<i32>} : memref<16x128xf32, #tpu.memory_space<vmem>>, vector<1x16xf32>,
    %swap3A_449 = arith.constant 8 : i32
    %swap3A_450 = arith.index_cast %swap3A_449 : i32 to index
    %swap3A_451 = arith.constant 0 : index
    %swap3A_452 = tpu.vector_load %arg8[%swap3A_450, %swap3A_451] {strides = array<i32>} : memref<16x128xf32, #tpu.memory_space<vmem>>, vector<1x16xf32>,
    %swap3A_453 = vector.shape_cast %swap3A_452 : vector<1x16xf32> to vector<16xf32>
    %swap3A_454 = vector.shape_cast %broadcast_in_dim3A_65 : vector<16xf32> to vector<1x16xf32>
    tpu.vector_store %arg8[%swap3A_450, %swap3A_451], %swap3A_454 {strides = array<i32>} : memref<16x128xf32, #tpu.memory_space<vmem>>, vector<1x16xf32>,
    %swap3A_455 = arith.constant 8 : i32
    %swap3A_456 = arith.index_cast %swap3A_455 : i32 to index
    %swap3A_457 = arith.constant 16 : index
    %swap3A_458 = tpu.vector_load %arg8[%swap3A_456, %swap3A_457] {strides = array<i32>} : memref<16x128xf32, #tpu.memory_space<vmem>>, vector<1x16xf32>,
    %swap3A_459 = vector.shape_cast %swap3A_458 : vector<1x16xf32> to vector<16xf32>
    %swap3A_460 = vector.shape_cast %broadcast_in_dim3A_65 : vector<16xf32> to vector<1x16xf32>
    tpu.vector_store %arg8[%swap3A_456, %swap3A_457], %swap3A_460 {strides = array<i32>} : memref<16x128xf32, #tpu.memory_space<vmem>>, vector<1x16xf32>,
    %swap3A_461 = arith.constant 8 : i32
    %swap3A_462 = arith.index_cast %swap3A_461 : i32 to index
    %swap3A_463 = arith.constant 32 : index
    %swap3A_464 = tpu.vector_load %arg8[%swap3A_462, %swap3A_463] {strides = array<i32>} : memref<16x128xf32, #tpu.memory_space<vmem>>, vector<1x16xf32>,
    %swap3A_465 = vector.shape_cast %swap3A_464 : vector<1x16xf32> to vector<16xf32>
    %swap3A_466 = vector.shape_cast %broadcast_in_dim3A_65 : vector<16xf32> to vector<1x16xf32>
    tpu.vector_store %arg8[%swap3A_462, %swap3A_463], %swap3A_466 {strides = array<i32>} : memref<16x128xf32, #tpu.memory_space<vmem>>, vector<1x16xf32>,
    %swap3A_467 = arith.constant 8 : i32
    %swap3A_468 = arith.index_cast %swap3A_467 : i32 to index
    %swap3A_469 = arith.constant 48 : index
    %swap3A_470 = tpu.vector_load %arg8[%swap3A_468, %swap3A_469] {strides = array<i32>} : memref<16x128xf32, #tpu.memory_space<vmem>>, vector<1x16xf32>,
    %swap3A_471 = vector.shape_cast %swap3A_470 : vector<1x16xf32> to vector<16xf32>
    %swap3A_472 = vector.shape_cast %broadcast_in_dim3A_65 : vector<16xf32> to vector<1x16xf32>
    tpu.vector_store %arg8[%swap3A_468, %swap3A_469], %swap3A_472 {strides = array<i32>} : memref<16x128xf32, #tpu.memory_space<vmem>>, vector<1x16xf32>,
    %swap3A_473 = arith.constant 8 : i32
    %swap3A_474 = arith.index_cast %swap3A_473 : i32 to index
    %swap3A_475 = arith.constant 64 : index
    %swap3A_476 = tpu.vector_load %arg8[%swap3A_474, %swap3A_475] {strides = array<i32>} : memref<16x128xf32, #tpu.memory_space<vmem>>, vector<1x16xf32>,
    %swap3A_477 = vector.shape_cast %swap3A_476 : vector<1x16xf32> to vector<16xf32>
    %swap3A_478 = vector.shape_cast %broadcast_in_dim3A_65 : vector<16xf32> to vector<1x16xf32>
    tpu.vector_store %arg8[%swap3A_474, %swap3A_475], %swap3A_478 {strides = array<i32>} : memref<16x128xf32, #tpu.memory_space<vmem>>, vector<1x16xf32>,
    %swap3A_479 = arith.constant 8 : i32
    %swap3A_480 = arith.index_cast %swap3A_479 : i32 to index
    %swap3A_481 = arith.constant 80 : index
    %swap3A_482 = tpu.vector_load %arg8[%swap3A_480, %swap3A_481] {strides = array<i32>} : memref<16x128xf32, #tpu.memory_space<vmem>>, vector<1x16xf32>,
    %swap3A_483 = vector.shape_cast %swap3A_482 : vector<1x16xf32> to vector<16xf32>
    %swap3A_484 = vector.shape_cast %broadcast_in_dim3A_65 : vector<16xf32> to vector<1x16xf32>
    tpu.vector_store %arg8[%swap3A_480, %swap3A_481], %swap3A_484 {strides = array<i32>} : memref<16x128xf32, #tpu.memory_space<vmem>>, vector<1x16xf32>,
    %swap3A_485 = arith.constant 8 : i32
    %swap3A_486 = arith.index_cast %swap3A_485 : i32 to index
    %swap3A_487 = arith.constant 96 : index
    %swap3A_488 = tpu.vector_load %arg8[%swap3A_486, %swap3A_487] {strides = array<i32>} : memref<16x128xf32, #tpu.memory_space<vmem>>, vector<1x16xf32>,
    %swap3A_489 = vector.shape_cast %swap3A_488 : vector<1x16xf32> to vector<16xf32>
    %swap3A_490 = vector.shape_cast %broadcast_in_dim3A_65 : vector<16xf32> to vector<1x16xf32>
    tpu.vector_store %arg8[%swap3A_486, %swap3A_487], %swap3A_490 {strides = array<i32>} : memref<16x128xf32, #tpu.memory_space<vmem>>, vector<1x16xf32>,
    %swap3A_491 = arith.constant 8 : i32
    %swap3A_492 = arith.index_cast %swap3A_491 : i32 to index
    %swap3A_493 = arith.constant 112 : index
    %swap3A_494 = tpu.vector_load %arg8[%swap3A_492, %swap3A_493] {strides = array<i32>} : memref<16x128xf32, #tpu.memory_space<vmem>>, vector<1x16xf32>,
    %swap3A_495 = vector.shape_cast %swap3A_494 : vector<1x16xf32> to vector<16xf32>
    %swap3A_496 = vector.shape_cast %broadcast_in_dim3A_65 : vector<16xf32> to vector<1x16xf32>
    tpu.vector_store %arg8[%swap3A_492, %swap3A_493], %swap3A_496 {strides = array<i32>} : memref<16x128xf32, #tpu.memory_space<vmem>>, vector<1x16xf32>,
    %swap3A_497 = arith.constant 9 : i32
    %swap3A_498 = arith.index_cast %swap3A_497 : i32 to index
    %swap3A_499 = arith.constant 0 : index
    %swap3A_500 = tpu.vector_load %arg8[%swap3A_498, %swap3A_499] {strides = array<i32>} : memref<16x128xf32, #tpu.memory_space<vmem>>, vector<1x16xf32>,
    %swap3A_501 = vector.shape_cast %swap3A_500 : vector<1x16xf32> to vector<16xf32>
    %swap3A_502 = vector.shape_cast %broadcast_in_dim3A_65 : vector<16xf32> to vector<1x16xf32>
    tpu.vector_store %arg8[%swap3A_498, %swap3A_499], %swap3A_502 {strides = array<i32>} : memref<16x128xf32, #tpu.memory_space<vmem>>, vector<1x16xf32>,
    %swap3A_503 = arith.constant 9 : i32
    %swap3A_504 = arith.index_cast %swap3A_503 : i32 to index
    %swap3A_505 = arith.constant 16 : index
    %swap3A_506 = tpu.vector_load %arg8[%swap3A_504, %swap3A_505] {strides = array<i32>} : memref<16x128xf32, #tpu.memory_space<vmem>>, vector<1x16xf32>,
    %swap3A_507 = vector.shape_cast %swap3A_506 : vector<1x16xf32> to vector<16xf32>
    %swap3A_508 = vector.shape_cast %broadcast_in_dim3A_65 : vector<16xf32> to vector<1x16xf32>
    tpu.vector_store %arg8[%swap3A_504, %swap3A_505], %swap3A_508 {strides = array<i32>} : memref<16x128xf32, #tpu.memory_space<vmem>>, vector<1x16xf32>,
    %swap3A_509 = arith.constant 9 : i32
    %swap3A_510 = arith.index_cast %swap3A_509 : i32 to index
    %swap3A_511 = arith.constant 32 : index
    %swap3A_512 = tpu.vector_load %arg8[%swap3A_510, %swap3A_511] {strides = array<i32>} : memref<16x128xf32, #tpu.memory_space<vmem>>, vector<1x16xf32>,
    %swap3A_513 = vector.shape_cast %swap3A_512 : vector<1x16xf32> to vector<16xf32>
    %swap3A_514 = vector.shape_cast %broadcast_in_dim3A_65 : vector<16xf32> to vector<1x16xf32>
    tpu.vector_store %arg8[%swap3A_510, %swap3A_511], %swap3A_514 {strides = array<i32>} : memref<16x128xf32, #tpu.memory_space<vmem>>, vector<1x16xf32>,
    %swap3A_515 = arith.constant 9 : i32
    %swap3A_516 = arith.index_cast %swap3A_515 : i32 to index
    %swap3A_517 = arith.constant 48 : index
    %swap3A_518 = tpu.vector_load %arg8[%swap3A_516, %swap3A_517] {strides = array<i32>} : memref<16x128xf32, #tpu.memory_space<vmem>>, vector<1x16xf32>,
    %swap3A_519 = vector.shape_cast %swap3A_518 : vector<1x16xf32> to vector<16xf32>
    %swap3A_520 = vector.shape_cast %broadcast_in_dim3A_65 : vector<16xf32> to vector<1x16xf32>
    tpu.vector_store %arg8[%swap3A_516, %swap3A_517], %swap3A_520 {strides = array<i32>} : memref<16x128xf32, #tpu.memory_space<vmem>>, vector<1x16xf32>,
    %swap3A_521 = arith.constant 9 : i32
    %swap3A_522 = arith.index_cast %swap3A_521 : i32 to index
    %swap3A_523 = arith.constant 64 : index
    %swap3A_524 = tpu.vector_load %arg8[%swap3A_522, %swap3A_523] {strides = array<i32>} : memref<16x128xf32, #tpu.memory_space<vmem>>, vector<1x16xf32>,
    %swap3A_525 = vector.shape_cast %swap3A_524 : vector<1x16xf32> to vector<16xf32>
    %swap3A_526 = vector.shape_cast %broadcast_in_dim3A_65 : vector<16xf32> to vector<1x16xf32>
    tpu.vector_store %arg8[%swap3A_522, %swap3A_523], %swap3A_526 {strides = array<i32>} : memref<16x128xf32, #tpu.memory_space<vmem>>, vector<1x16xf32>,
    %swap3A_527 = arith.constant 9 : i32
    %swap3A_528 = arith.index_cast %swap3A_527 : i32 to index
    %swap3A_529 = arith.constant 80 : index
    %swap3A_530 = tpu.vector_load %arg8[%swap3A_528, %swap3A_529] {strides = array<i32>} : memref<16x128xf32, #tpu.memory_space<vmem>>, vector<1x16xf32>,
    %swap3A_531 = vector.shape_cast %swap3A_530 : vector<1x16xf32> to vector<16xf32>
    %swap3A_532 = vector.shape_cast %broadcast_in_dim3A_65 : vector<16xf32> to vector<1x16xf32>
    tpu.vector_store %arg8[%swap3A_528, %swap3A_529], %swap3A_532 {strides = array<i32>} : memref<16x128xf32, #tpu.memory_space<vmem>>, vector<1x16xf32>,
    %swap3A_533 = arith.constant 9 : i32
    %swap3A_534 = arith.index_cast %swap3A_533 : i32 to index
    %swap3A_535 = arith.constant 96 : index
    %swap3A_536 = tpu.vector_load %arg8[%swap3A_534, %swap3A_535] {strides = array<i32>} : memref<16x128xf32, #tpu.memory_space<vmem>>, vector<1x16xf32>,
    %swap3A_537 = vector.shape_cast %swap3A_536 : vector<1x16xf32> to vector<16xf32>
    %swap3A_538 = vector.shape_cast %broadcast_in_dim3A_65 : vector<16xf32> to vector<1x16xf32>
    tpu.vector_store %arg8[%swap3A_534, %swap3A_535], %swap3A_538 {strides = array<i32>} : memref<16x128xf32, #tpu.memory_space<vmem>>, vector<1x16xf32>,
    %swap3A_539 = arith.constant 9 : i32
    %swap3A_540 = arith.index_cast %swap3A_539 : i32 to index
    %swap3A_541 = arith.constant 112 : index
    %swap3A_542 = tpu.vector_load %arg8[%swap3A_540, %swap3A_541] {strides = array<i32>} : memref<16x128xf32, #tpu.memory_space<vmem>>, vector<1x16xf32>,
    %swap3A_543 = vector.shape_cast %swap3A_542 : vector<1x16xf32> to vector<16xf32>
    %swap3A_544 = vector.shape_cast %broadcast_in_dim3A_65 : vector<16xf32> to vector<1x16xf32>
    tpu.vector_store %arg8[%swap3A_540, %swap3A_541], %swap3A_544 {strides = array<i32>} : memref<16x128xf32, #tpu.memory_space<vmem>>, vector<1x16xf32>,
    %swap3A_545 = arith.constant 10 : i32
    %swap3A_546 = arith.index_cast %swap3A_545 : i32 to index
    %swap3A_547 = arith.constant 0 : index
    %swap3A_548 = tpu.vector_load %arg8[%swap3A_546, %swap3A_547] {strides = array<i32>} : memref<16x128xf32, #tpu.memory_space<vmem>>, vector<1x16xf32>,
    %swap3A_549 = vector.shape_cast %swap3A_548 : vector<1x16xf32> to vector<16xf32>
    %swap3A_550 = vector.shape_cast %broadcast_in_dim3A_65 : vector<16xf32> to vector<1x16xf32>
    tpu.vector_store %arg8[%swap3A_546, %swap3A_547], %swap3A_550 {strides = array<i32>} : memref<16x128xf32, #tpu.memory_space<vmem>>, vector<1x16xf32>,
    %swap3A_551 = arith.constant 10 : i32
    %swap3A_552 = arith.index_cast %swap3A_551 : i32 to index
    %swap3A_553 = arith.constant 16 : index
    %swap3A_554 = tpu.vector_load %arg8[%swap3A_552, %swap3A_553] {strides = array<i32>} : memref<16x128xf32, #tpu.memory_space<vmem>>, vector<1x16xf32>,
    %swap3A_555 = vector.shape_cast %swap3A_554 : vector<1x16xf32> to vector<16xf32>
    %swap3A_556 = vector.shape_cast %broadcast_in_dim3A_65 : vector<16xf32> to vector<1x16xf32>
    tpu.vector_store %arg8[%swap3A_552, %swap3A_553], %swap3A_556 {strides = array<i32>} : memref<16x128xf32, #tpu.memory_space<vmem>>, vector<1x16xf32>,
    %swap3A_557 = arith.constant 10 : i32
    %swap3A_558 = arith.index_cast %swap3A_557 : i32 to index
    %swap3A_559 = arith.constant 32 : index
    %swap3A_560 = tpu.vector_load %arg8[%swap3A_558, %swap3A_559] {strides = array<i32>} : memref<16x128xf32, #tpu.memory_space<vmem>>, vector<1x16xf32>,
    %swap3A_561 = vector.shape_cast %swap3A_560 : vector<1x16xf32> to vector<16xf32>
    %swap3A_562 = vector.shape_cast %broadcast_in_dim3A_65 : vector<16xf32> to vector<1x16xf32>
    tpu.vector_store %arg8[%swap3A_558, %swap3A_559], %swap3A_562 {strides = array<i32>} : memref<16x128xf32, #tpu.memory_space<vmem>>, vector<1x16xf32>,
    %swap3A_563 = arith.constant 10 : i32
    %swap3A_564 = arith.index_cast %swap3A_563 : i32 to index
    %swap3A_565 = arith.constant 48 : index
    %swap3A_566 = tpu.vector_load %arg8[%swap3A_564, %swap3A_565] {strides = array<i32>} : memref<16x128xf32, #tpu.memory_space<vmem>>, vector<1x16xf32>,
    %swap3A_567 = vector.shape_cast %swap3A_566 : vector<1x16xf32> to vector<16xf32>
    %swap3A_568 = vector.shape_cast %broadcast_in_dim3A_65 : vector<16xf32> to vector<1x16xf32>
    tpu.vector_store %arg8[%swap3A_564, %swap3A_565], %swap3A_568 {strides = array<i32>} : memref<16x128xf32, #tpu.memory_space<vmem>>, vector<1x16xf32>,
    %swap3A_569 = arith.constant 10 : i32
    %swap3A_570 = arith.index_cast %swap3A_569 : i32 to index
    %swap3A_571 = arith.constant 64 : index
    %swap3A_572 = tpu.vector_load %arg8[%swap3A_570, %swap3A_571] {strides = array<i32>} : memref<16x128xf32, #tpu.memory_space<vmem>>, vector<1x16xf32>,
    %swap3A_573 = vector.shape_cast %swap3A_572 : vector<1x16xf32> to vector<16xf32>
    %swap3A_574 = vector.shape_cast %broadcast_in_dim3A_65 : vector<16xf32> to vector<1x16xf32>
    tpu.vector_store %arg8[%swap3A_570, %swap3A_571], %swap3A_574 {strides = array<i32>} : memref<16x128xf32, #tpu.memory_space<vmem>>, vector<1x16xf32>,
    %swap3A_575 = arith.constant 10 : i32
    %swap3A_576 = arith.index_cast %swap3A_575 : i32 to index
    %swap3A_577 = arith.constant 80 : index
    %swap3A_578 = tpu.vector_load %arg8[%swap3A_576, %swap3A_577] {strides = array<i32>} : memref<16x128xf32, #tpu.memory_space<vmem>>, vector<1x16xf32>,
    %swap3A_579 = vector.shape_cast %swap3A_578 : vector<1x16xf32> to vector<16xf32>
    %swap3A_580 = vector.shape_cast %broadcast_in_dim3A_65 : vector<16xf32> to vector<1x16xf32>
    tpu.vector_store %arg8[%swap3A_576, %swap3A_577], %swap3A_580 {strides = array<i32>} : memref<16x128xf32, #tpu.memory_space<vmem>>, vector<1x16xf32>,
    %swap3A_581 = arith.constant 10 : i32
    %swap3A_582 = arith.index_cast %swap3A_581 : i32 to index
    %swap3A_583 = arith.constant 96 : index
    %swap3A_584 = tpu.vector_load %arg8[%swap3A_582, %swap3A_583] {strides = array<i32>} : memref<16x128xf32, #tpu.memory_space<vmem>>, vector<1x16xf32>,
    %swap3A_585 = vector.shape_cast %swap3A_584 : vector<1x16xf32> to vector<16xf32>
    %swap3A_586 = vector.shape_cast %broadcast_in_dim3A_65 : vector<16xf32> to vector<1x16xf32>
    tpu.vector_store %arg8[%swap3A_582, %swap3A_583], %swap3A_586 {strides = array<i32>} : memref<16x128xf32, #tpu.memory_space<vmem>>, vector<1x16xf32>,
    %swap3A_587 = arith.constant 10 : i32
    %swap3A_588 = arith.index_cast %swap3A_587 : i32 to index
    %swap3A_589 = arith.constant 112 : index
    %swap3A_590 = tpu.vector_load %arg8[%swap3A_588, %swap3A_589] {strides = array<i32>} : memref<16x128xf32, #tpu.memory_space<vmem>>, vector<1x16xf32>,
    %swap3A_591 = vector.shape_cast %swap3A_590 : vector<1x16xf32> to vector<16xf32>
    %swap3A_592 = vector.shape_cast %broadcast_in_dim3A_65 : vector<16xf32> to vector<1x16xf32>
    tpu.vector_store %arg8[%swap3A_588, %swap3A_589], %swap3A_592 {strides = array<i32>} : memref<16x128xf32, #tpu.memory_space<vmem>>, vector<1x16xf32>,
    %swap3A_593 = arith.constant 11 : i32
    %swap3A_594 = arith.index_cast %swap3A_593 : i32 to index
    %swap3A_595 = arith.constant 0 : index
    %swap3A_596 = tpu.vector_load %arg8[%swap3A_594, %swap3A_595] {strides = array<i32>} : memref<16x128xf32, #tpu.memory_space<vmem>>, vector<1x16xf32>,
    %swap3A_597 = vector.shape_cast %swap3A_596 : vector<1x16xf32> to vector<16xf32>
    %swap3A_598 = vector.shape_cast %broadcast_in_dim3A_65 : vector<16xf32> to vector<1x16xf32>
    tpu.vector_store %arg8[%swap3A_594, %swap3A_595], %swap3A_598 {strides = array<i32>} : memref<16x128xf32, #tpu.memory_space<vmem>>, vector<1x16xf32>,
    %swap3A_599 = arith.constant 11 : i32
    %swap3A_600 = arith.index_cast %swap3A_599 : i32 to index
    %swap3A_601 = arith.constant 16 : index
    %swap3A_602 = tpu.vector_load %arg8[%swap3A_600, %swap3A_601] {strides = array<i32>} : memref<16x128xf32, #tpu.memory_space<vmem>>, vector<1x16xf32>,
    %swap3A_603 = vector.shape_cast %swap3A_602 : vector<1x16xf32> to vector<16xf32>
    %swap3A_604 = vector.shape_cast %broadcast_in_dim3A_65 : vector<16xf32> to vector<1x16xf32>
    tpu.vector_store %arg8[%swap3A_600, %swap3A_601], %swap3A_604 {strides = array<i32>} : memref<16x128xf32, #tpu.memory_space<vmem>>, vector<1x16xf32>,
    %swap3A_605 = arith.constant 11 : i32
    %swap3A_606 = arith.index_cast %swap3A_605 : i32 to index
    %swap3A_607 = arith.constant 32 : index
    %swap3A_608 = tpu.vector_load %arg8[%swap3A_606, %swap3A_607] {strides = array<i32>} : memref<16x128xf32, #tpu.memory_space<vmem>>, vector<1x16xf32>,
    %swap3A_609 = vector.shape_cast %swap3A_608 : vector<1x16xf32> to vector<16xf32>
    %swap3A_610 = vector.shape_cast %broadcast_in_dim3A_65 : vector<16xf32> to vector<1x16xf32>
    tpu.vector_store %arg8[%swap3A_606, %swap3A_607], %swap3A_610 {strides = array<i32>} : memref<16x128xf32, #tpu.memory_space<vmem>>, vector<1x16xf32>,
    %swap3A_611 = arith.constant 11 : i32
    %swap3A_612 = arith.index_cast %swap3A_611 : i32 to index
    %swap3A_613 = arith.constant 48 : index
    %swap3A_614 = tpu.vector_load %arg8[%swap3A_612, %swap3A_613] {strides = array<i32>} : memref<16x128xf32, #tpu.memory_space<vmem>>, vector<1x16xf32>,
    %swap3A_615 = vector.shape_cast %swap3A_614 : vector<1x16xf32> to vector<16xf32>
    %swap3A_616 = vector.shape_cast %broadcast_in_dim3A_65 : vector<16xf32> to vector<1x16xf32>
    tpu.vector_store %arg8[%swap3A_612, %swap3A_613], %swap3A_616 {strides = array<i32>} : memref<16x128xf32, #tpu.memory_space<vmem>>, vector<1x16xf32>,
    %swap3A_617 = arith.constant 11 : i32
    %swap3A_618 = arith.index_cast %swap3A_617 : i32 to index
    %swap3A_619 = arith.constant 64 : index
    %swap3A_620 = tpu.vector_load %arg8[%swap3A_618, %swap3A_619] {strides = array<i32>} : memref<16x128xf32, #tpu.memory_space<vmem>>, vector<1x16xf32>,
    %swap3A_621 = vector.shape_cast %swap3A_620 : vector<1x16xf32> to vector<16xf32>
    %swap3A_622 = vector.shape_cast %broadcast_in_dim3A_65 : vector<16xf32> to vector<1x16xf32>
    tpu.vector_store %arg8[%swap3A_618, %swap3A_619], %swap3A_622 {strides = array<i32>} : memref<16x128xf32, #tpu.memory_space<vmem>>, vector<1x16xf32>,
    %swap3A_623 = arith.constant 11 : i32
    %swap3A_624 = arith.index_cast %swap3A_623 : i32 to index
    %swap3A_625 = arith.constant 80 : index
    %swap3A_626 = tpu.vector_load %arg8[%swap3A_624, %swap3A_625] {strides = array<i32>} : memref<16x128xf32, #tpu.memory_space<vmem>>, vector<1x16xf32>,
    %swap3A_627 = vector.shape_cast %swap3A_626 : vector<1x16xf32> to vector<16xf32>
    %swap3A_628 = vector.shape_cast %broadcast_in_dim3A_65 : vector<16xf32> to vector<1x16xf32>
    tpu.vector_store %arg8[%swap3A_624, %swap3A_625], %swap3A_628 {strides = array<i32>} : memref<16x128xf32, #tpu.memory_space<vmem>>, vector<1x16xf32>,
    %swap3A_629 = arith.constant 11 : i32
    %swap3A_630 = arith.index_cast %swap3A_629 : i32 to index
    %swap3A_631 = arith.constant 96 : index
    %swap3A_632 = tpu.vector_load %arg8[%swap3A_630, %swap3A_631] {strides = array<i32>} : memref<16x128xf32, #tpu.memory_space<vmem>>, vector<1x16xf32>,
    %swap3A_633 = vector.shape_cast %swap3A_632 : vector<1x16xf32> to vector<16xf32>
    %swap3A_634 = vector.shape_cast %broadcast_in_dim3A_65 : vector<16xf32> to vector<1x16xf32>
    tpu.vector_store %arg8[%swap3A_630, %swap3A_631], %swap3A_634 {strides = array<i32>} : memref<16x128xf32, #tpu.memory_space<vmem>>, vector<1x16xf32>,
    %swap3A_635 = arith.constant 11 : i32
    %swap3A_636 = arith.index_cast %swap3A_635 : i32 to index
    %swap3A_637 = arith.constant 112 : index
    %swap3A_638 = tpu.vector_load %arg8[%swap3A_636, %swap3A_637] {strides = array<i32>} : memref<16x128xf32, #tpu.memory_space<vmem>>, vector<1x16xf32>,
    %swap3A_639 = vector.shape_cast %swap3A_638 : vector<1x16xf32> to vector<16xf32>
    %swap3A_640 = vector.shape_cast %broadcast_in_dim3A_65 : vector<16xf32> to vector<1x16xf32>
    tpu.vector_store %arg8[%swap3A_636, %swap3A_637], %swap3A_640 {strides = array<i32>} : memref<16x128xf32, #tpu.memory_space<vmem>>, vector<1x16xf32>,
    %swap3A_641 = arith.constant 12 : i32
    %swap3A_642 = arith.index_cast %swap3A_641 : i32 to index
    %swap3A_643 = arith.constant 0 : index
    %swap3A_644 = tpu.vector_load %arg8[%swap3A_642, %swap3A_643] {strides = array<i32>} : memref<16x128xf32, #tpu.memory_space<vmem>>, vector<1x16xf32>,
    %swap3A_645 = vector.shape_cast %swap3A_644 : vector<1x16xf32> to vector<16xf32>
    %swap3A_646 = vector.shape_cast %broadcast_in_dim3A_65 : vector<16xf32> to vector<1x16xf32>
    tpu.vector_store %arg8[%swap3A_642, %swap3A_643], %swap3A_646 {strides = array<i32>} : memref<16x128xf32, #tpu.memory_space<vmem>>, vector<1x16xf32>,
    %swap3A_647 = arith.constant 12 : i32
    %swap3A_648 = arith.index_cast %swap3A_647 : i32 to index
    %swap3A_649 = arith.constant 16 : index
    %swap3A_650 = tpu.vector_load %arg8[%swap3A_648, %swap3A_649] {strides = array<i32>} : memref<16x128xf32, #tpu.memory_space<vmem>>, vector<1x16xf32>,
    %swap3A_651 = vector.shape_cast %swap3A_650 : vector<1x16xf32> to vector<16xf32>
    %swap3A_652 = vector.shape_cast %broadcast_in_dim3A_65 : vector<16xf32> to vector<1x16xf32>
    tpu.vector_store %arg8[%swap3A_648, %swap3A_649], %swap3A_652 {strides = array<i32>} : memref<16x128xf32, #tpu.memory_space<vmem>>, vector<1x16xf32>,
    %swap3A_653 = arith.constant 12 : i32
    %swap3A_654 = arith.index_cast %swap3A_653 : i32 to index
    %swap3A_655 = arith.constant 32 : index
    %swap3A_656 = tpu.vector_load %arg8[%swap3A_654, %swap3A_655] {strides = array<i32>} : memref<16x128xf32, #tpu.memory_space<vmem>>, vector<1x16xf32>,
    %swap3A_657 = vector.shape_cast %swap3A_656 : vector<1x16xf32> to vector<16xf32>
    %swap3A_658 = vector.shape_cast %broadcast_in_dim3A_65 : vector<16xf32> to vector<1x16xf32>
    tpu.vector_store %arg8[%swap3A_654, %swap3A_655], %swap3A_658 {strides = array<i32>} : memref<16x128xf32, #tpu.memory_space<vmem>>, vector<1x16xf32>,
    %swap3A_659 = arith.constant 12 : i32
    %swap3A_660 = arith.index_cast %swap3A_659 : i32 to index
    %swap3A_661 = arith.constant 48 : index
    %swap3A_662 = tpu.vector_load %arg8[%swap3A_660, %swap3A_661] {strides = array<i32>} : memref<16x128xf32, #tpu.memory_space<vmem>>, vector<1x16xf32>,
    %swap3A_663 = vector.shape_cast %swap3A_662 : vector<1x16xf32> to vector<16xf32>
    %swap3A_664 = vector.shape_cast %broadcast_in_dim3A_65 : vector<16xf32> to vector<1x16xf32>
    tpu.vector_store %arg8[%swap3A_660, %swap3A_661], %swap3A_664 {strides = array<i32>} : memref<16x128xf32, #tpu.memory_space<vmem>>, vector<1x16xf32>,
    %swap3A_665 = arith.constant 12 : i32
    %swap3A_666 = arith.index_cast %swap3A_665 : i32 to index
    %swap3A_667 = arith.constant 64 : index
    %swap3A_668 = tpu.vector_load %arg8[%swap3A_666, %swap3A_667] {strides = array<i32>} : memref<16x128xf32, #tpu.memory_space<vmem>>, vector<1x16xf32>,
    %swap3A_669 = vector.shape_cast %swap3A_668 : vector<1x16xf32> to vector<16xf32>
    %swap3A_670 = vector.shape_cast %broadcast_in_dim3A_65 : vector<16xf32> to vector<1x16xf32>
    tpu.vector_store %arg8[%swap3A_666, %swap3A_667], %swap3A_670 {strides = array<i32>} : memref<16x128xf32, #tpu.memory_space<vmem>>, vector<1x16xf32>,
    %swap3A_671 = arith.constant 12 : i32
    %swap3A_672 = arith.index_cast %swap3A_671 : i32 to index
    %swap3A_673 = arith.constant 80 : index
    %swap3A_674 = tpu.vector_load %arg8[%swap3A_672, %swap3A_673] {strides = array<i32>} : memref<16x128xf32, #tpu.memory_space<vmem>>, vector<1x16xf32>,
    %swap3A_675 = vector.shape_cast %swap3A_674 : vector<1x16xf32> to vector<16xf32>
    %swap3A_676 = vector.shape_cast %broadcast_in_dim3A_65 : vector<16xf32> to vector<1x16xf32>
    tpu.vector_store %arg8[%swap3A_672, %swap3A_673], %swap3A_676 {strides = array<i32>} : memref<16x128xf32, #tpu.memory_space<vmem>>, vector<1x16xf32>,
    %swap3A_677 = arith.constant 12 : i32
    %swap3A_678 = arith.index_cast %swap3A_677 : i32 to index
    %swap3A_679 = arith.constant 96 : index
    %swap3A_680 = tpu.vector_load %arg8[%swap3A_678, %swap3A_679] {strides = array<i32>} : memref<16x128xf32, #tpu.memory_space<vmem>>, vector<1x16xf32>,
    %swap3A_681 = vector.shape_cast %swap3A_680 : vector<1x16xf32> to vector<16xf32>
    %swap3A_682 = vector.shape_cast %broadcast_in_dim3A_65 : vector<16xf32> to vector<1x16xf32>
    tpu.vector_store %arg8[%swap3A_678, %swap3A_679], %swap3A_682 {strides = array<i32>} : memref<16x128xf32, #tpu.memory_space<vmem>>, vector<1x16xf32>,
    %swap3A_683 = arith.constant 12 : i32
    %swap3A_684 = arith.index_cast %swap3A_683 : i32 to index
    %swap3A_685 = arith.constant 112 : index
    %swap3A_686 = tpu.vector_load %arg8[%swap3A_684, %swap3A_685] {strides = array<i32>} : memref<16x128xf32, #tpu.memory_space<vmem>>, vector<1x16xf32>,
    %swap3A_687 = vector.shape_cast %swap3A_686 : vector<1x16xf32> to vector<16xf32>
    %swap3A_688 = vector.shape_cast %broadcast_in_dim3A_65 : vector<16xf32> to vector<1x16xf32>
    tpu.vector_store %arg8[%swap3A_684, %swap3A_685], %swap3A_688 {strides = array<i32>} : memref<16x128xf32, #tpu.memory_space<vmem>>, vector<1x16xf32>,
    %swap3A_689 = arith.constant 13 : i32
    %swap3A_690 = arith.index_cast %swap3A_689 : i32 to index
    %swap3A_691 = arith.constant 0 : index
    %swap3A_692 = tpu.vector_load %arg8[%swap3A_690, %swap3A_691] {strides = array<i32>} : memref<16x128xf32, #tpu.memory_space<vmem>>, vector<1x16xf32>,
    %swap3A_693 = vector.shape_cast %swap3A_692 : vector<1x16xf32> to vector<16xf32>
    %swap3A_694 = vector.shape_cast %broadcast_in_dim3A_65 : vector<16xf32> to vector<1x16xf32>
    tpu.vector_store %arg8[%swap3A_690, %swap3A_691], %swap3A_694 {strides = array<i32>} : memref<16x128xf32, #tpu.memory_space<vmem>>, vector<1x16xf32>,
    %swap3A_695 = arith.constant 13 : i32
    %swap3A_696 = arith.index_cast %swap3A_695 : i32 to index
    %swap3A_697 = arith.constant 16 : index
    %swap3A_698 = tpu.vector_load %arg8[%swap3A_696, %swap3A_697] {strides = array<i32>} : memref<16x128xf32, #tpu.memory_space<vmem>>, vector<1x16xf32>,
    %swap3A_699 = vector.shape_cast %swap3A_698 : vector<1x16xf32> to vector<16xf32>
    %swap3A_700 = vector.shape_cast %broadcast_in_dim3A_65 : vector<16xf32> to vector<1x16xf32>
    tpu.vector_store %arg8[%swap3A_696, %swap3A_697], %swap3A_700 {strides = array<i32>} : memref<16x128xf32, #tpu.memory_space<vmem>>, vector<1x16xf32>,
    %swap3A_701 = arith.constant 13 : i32
    %swap3A_702 = arith.index_cast %swap3A_701 : i32 to index
    %swap3A_703 = arith.constant 32 : index
    %swap3A_704 = tpu.vector_load %arg8[%swap3A_702, %swap3A_703] {strides = array<i32>} : memref<16x128xf32, #tpu.memory_space<vmem>>, vector<1x16xf32>,
    %swap3A_705 = vector.shape_cast %swap3A_704 : vector<1x16xf32> to vector<16xf32>
    %swap3A_706 = vector.shape_cast %broadcast_in_dim3A_65 : vector<16xf32> to vector<1x16xf32>
    tpu.vector_store %arg8[%swap3A_702, %swap3A_703], %swap3A_706 {strides = array<i32>} : memref<16x128xf32, #tpu.memory_space<vmem>>, vector<1x16xf32>,
    %swap3A_707 = arith.constant 13 : i32
    %swap3A_708 = arith.index_cast %swap3A_707 : i32 to index
    %swap3A_709 = arith.constant 48 : index
    %swap3A_710 = tpu.vector_load %arg8[%swap3A_708, %swap3A_709] {strides = array<i32>} : memref<16x128xf32, #tpu.memory_space<vmem>>, vector<1x16xf32>,
    %swap3A_711 = vector.shape_cast %swap3A_710 : vector<1x16xf32> to vector<16xf32>
    %swap3A_712 = vector.shape_cast %broadcast_in_dim3A_65 : vector<16xf32> to vector<1x16xf32>
    tpu.vector_store %arg8[%swap3A_708, %swap3A_709], %swap3A_712 {strides = array<i32>} : memref<16x128xf32, #tpu.memory_space<vmem>>, vector<1x16xf32>,
    %swap3A_713 = arith.constant 13 : i32
    %swap3A_714 = arith.index_cast %swap3A_713 : i32 to index
    %swap3A_715 = arith.constant 64 : index
    %swap3A_716 = tpu.vector_load %arg8[%swap3A_714, %swap3A_715] {strides = array<i32>} : memref<16x128xf32, #tpu.memory_space<vmem>>, vector<1x16xf32>,
    %swap3A_717 = vector.shape_cast %swap3A_716 : vector<1x16xf32> to vector<16xf32>
    %swap3A_718 = vector.shape_cast %broadcast_in_dim3A_65 : vector<16xf32> to vector<1x16xf32>
    tpu.vector_store %arg8[%swap3A_714, %swap3A_715], %swap3A_718 {strides = array<i32>} : memref<16x128xf32, #tpu.memory_space<vmem>>, vector<1x16xf32>,
    %swap3A_719 = arith.constant 13 : i32
    %swap3A_720 = arith.index_cast %swap3A_719 : i32 to index
    %swap3A_721 = arith.constant 80 : index
    %swap3A_722 = tpu.vector_load %arg8[%swap3A_720, %swap3A_721] {strides = array<i32>} : memref<16x128xf32, #tpu.memory_space<vmem>>, vector<1x16xf32>,
    %swap3A_723 = vector.shape_cast %swap3A_722 : vector<1x16xf32> to vector<16xf32>
    %swap3A_724 = vector.shape_cast %broadcast_in_dim3A_65 : vector<16xf32> to vector<1x16xf32>
    tpu.vector_store %arg8[%swap3A_720, %swap3A_721], %swap3A_724 {strides = array<i32>} : memref<16x128xf32, #tpu.memory_space<vmem>>, vector<1x16xf32>,
    %swap3A_725 = arith.constant 13 : i32
    %swap3A_726 = arith.index_cast %swap3A_725 : i32 to index
    %swap3A_727 = arith.constant 96 : index
    %swap3A_728 = tpu.vector_load %arg8[%swap3A_726, %swap3A_727] {strides = array<i32>} : memref<16x128xf32, #tpu.memory_space<vmem>>, vector<1x16xf32>,
    %swap3A_729 = vector.shape_cast %swap3A_728 : vector<1x16xf32> to vector<16xf32>
    %swap3A_730 = vector.shape_cast %broadcast_in_dim3A_65 : vector<16xf32> to vector<1x16xf32>
    tpu.vector_store %arg8[%swap3A_726, %swap3A_727], %swap3A_730 {strides = array<i32>} : memref<16x128xf32, #tpu.memory_space<vmem>>, vector<1x16xf32>,
    %swap3A_731 = arith.constant 13 : i32
    %swap3A_732 = arith.index_cast %swap3A_731 : i32 to index
    %swap3A_733 = arith.constant 112 : index
    %swap3A_734 = tpu.vector_load %arg8[%swap3A_732, %swap3A_733] {strides = array<i32>} : memref<16x128xf32, #tpu.memory_space<vmem>>, vector<1x16xf32>,
    %swap3A_735 = vector.shape_cast %swap3A_734 : vector<1x16xf32> to vector<16xf32>
    %swap3A_736 = vector.shape_cast %broadcast_in_dim3A_65 : vector<16xf32> to vector<1x16xf32>
    tpu.vector_store %arg8[%swap3A_732, %swap3A_733], %swap3A_736 {strides = array<i32>} : memref<16x128xf32, #tpu.memory_space<vmem>>, vector<1x16xf32>,
    %swap3A_737 = arith.constant 14 : i32
    %swap3A_738 = arith.index_cast %swap3A_737 : i32 to index
    %swap3A_739 = arith.constant 0 : index
    %swap3A_740 = tpu.vector_load %arg8[%swap3A_738, %swap3A_739] {strides = array<i32>} : memref<16x128xf32, #tpu.memory_space<vmem>>, vector<1x16xf32>,
    %swap3A_741 = vector.shape_cast %swap3A_740 : vector<1x16xf32> to vector<16xf32>
    %swap3A_742 = vector.shape_cast %broadcast_in_dim3A_65 : vector<16xf32> to vector<1x16xf32>
    tpu.vector_store %arg8[%swap3A_738, %swap3A_739], %swap3A_742 {strides = array<i32>} : memref<16x128xf32, #tpu.memory_space<vmem>>, vector<1x16xf32>,
    %swap3A_743 = arith.constant 14 : i32
    %swap3A_744 = arith.index_cast %swap3A_743 : i32 to index
    %swap3A_745 = arith.constant 16 : index
    %swap3A_746 = tpu.vector_load %arg8[%swap3A_744, %swap3A_745] {strides = array<i32>} : memref<16x128xf32, #tpu.memory_space<vmem>>, vector<1x16xf32>,
    %swap3A_747 = vector.shape_cast %swap3A_746 : vector<1x16xf32> to vector<16xf32>
    %swap3A_748 = vector.shape_cast %broadcast_in_dim3A_65 : vector<16xf32> to vector<1x16xf32>
    tpu.vector_store %arg8[%swap3A_744, %swap3A_745], %swap3A_748 {strides = array<i32>} : memref<16x128xf32, #tpu.memory_space<vmem>>, vector<1x16xf32>,
    %swap3A_749 = arith.constant 14 : i32
    %swap3A_750 = arith.index_cast %swap3A_749 : i32 to index
    %swap3A_751 = arith.constant 32 : index
    %swap3A_752 = tpu.vector_load %arg8[%swap3A_750, %swap3A_751] {strides = array<i32>} : memref<16x128xf32, #tpu.memory_space<vmem>>, vector<1x16xf32>,
    %swap3A_753 = vector.shape_cast %swap3A_752 : vector<1x16xf32> to vector<16xf32>
    %swap3A_754 = vector.shape_cast %broadcast_in_dim3A_65 : vector<16xf32> to vector<1x16xf32>
    tpu.vector_store %arg8[%swap3A_750, %swap3A_751], %swap3A_754 {strides = array<i32>} : memref<16x128xf32, #tpu.memory_space<vmem>>, vector<1x16xf32>,
    %swap3A_755 = arith.constant 14 : i32
    %swap3A_756 = arith.index_cast %swap3A_755 : i32 to index
    %swap3A_757 = arith.constant 48 : index
    %swap3A_758 = tpu.vector_load %arg8[%swap3A_756, %swap3A_757] {strides = array<i32>} : memref<16x128xf32, #tpu.memory_space<vmem>>, vector<1x16xf32>,
    %swap3A_759 = vector.shape_cast %swap3A_758 : vector<1x16xf32> to vector<16xf32>
    %swap3A_760 = vector.shape_cast %broadcast_in_dim3A_65 : vector<16xf32> to vector<1x16xf32>
    tpu.vector_store %arg8[%swap3A_756, %swap3A_757], %swap3A_760 {strides = array<i32>} : memref<16x128xf32, #tpu.memory_space<vmem>>, vector<1x16xf32>,
    %swap3A_761 = arith.constant 14 : i32
    %swap3A_762 = arith.index_cast %swap3A_761 : i32 to index
    %swap3A_763 = arith.constant 64 : index
    %swap3A_764 = tpu.vector_load %arg8[%swap3A_762, %swap3A_763] {strides = array<i32>} : memref<16x128xf32, #tpu.memory_space<vmem>>, vector<1x16xf32>,
    %swap3A_765 = vector.shape_cast %swap3A_764 : vector<1x16xf32> to vector<16xf32>
    %swap3A_766 = vector.shape_cast %broadcast_in_dim3A_65 : vector<16xf32> to vector<1x16xf32>
    tpu.vector_store %arg8[%swap3A_762, %swap3A_763], %swap3A_766 {strides = array<i32>} : memref<16x128xf32, #tpu.memory_space<vmem>>, vector<1x16xf32>,
    %swap3A_767 = arith.constant 14 : i32
    %swap3A_768 = arith.index_cast %swap3A_767 : i32 to index
    %swap3A_769 = arith.constant 80 : index
    %swap3A_770 = tpu.vector_load %arg8[%swap3A_768, %swap3A_769] {strides = array<i32>} : memref<16x128xf32, #tpu.memory_space<vmem>>, vector<1x16xf32>,
    %swap3A_771 = vector.shape_cast %swap3A_770 : vector<1x16xf32> to vector<16xf32>
    %swap3A_772 = vector.shape_cast %broadcast_in_dim3A_65 : vector<16xf32> to vector<1x16xf32>
    tpu.vector_store %arg8[%swap3A_768, %swap3A_769], %swap3A_772 {strides = array<i32>} : memref<16x128xf32, #tpu.memory_space<vmem>>, vector<1x16xf32>,
    %swap3A_773 = arith.constant 14 : i32
    %swap3A_774 = arith.index_cast %swap3A_773 : i32 to index
    %swap3A_775 = arith.constant 96 : index
    %swap3A_776 = tpu.vector_load %arg8[%swap3A_774, %swap3A_775] {strides = array<i32>} : memref<16x128xf32, #tpu.memory_space<vmem>>, vector<1x16xf32>,
    %swap3A_777 = vector.shape_cast %swap3A_776 : vector<1x16xf32> to vector<16xf32>
    %swap3A_778 = vector.shape_cast %broadcast_in_dim3A_65 : vector<16xf32> to vector<1x16xf32>
    tpu.vector_store %arg8[%swap3A_774, %swap3A_775], %swap3A_778 {strides = array<i32>} : memref<16x128xf32, #tpu.memory_space<vmem>>, vector<1x16xf32>,
    %swap3A_779 = arith.constant 14 : i32
    %swap3A_780 = arith.index_cast %swap3A_779 : i32 to index
    %swap3A_781 = arith.constant 112 : index
    %swap3A_782 = tpu.vector_load %arg8[%swap3A_780, %swap3A_781] {strides = array<i32>} : memref<16x128xf32, #tpu.memory_space<vmem>>, vector<1x16xf32>,
    %swap3A_783 = vector.shape_cast %swap3A_782 : vector<1x16xf32> to vector<16xf32>
    %swap3A_784 = vector.shape_cast %broadcast_in_dim3A_65 : vector<16xf32> to vector<1x16xf32>
    tpu.vector_store %arg8[%swap3A_780, %swap3A_781], %swap3A_784 {strides = array<i32>} : memref<16x128xf32, #tpu.memory_space<vmem>>, vector<1x16xf32>,
    %swap3A_785 = arith.constant 15 : i32
    %swap3A_786 = arith.index_cast %swap3A_785 : i32 to index
    %swap3A_787 = arith.constant 0 : index
    %swap3A_788 = tpu.vector_load %arg8[%swap3A_786, %swap3A_787] {strides = array<i32>} : memref<16x128xf32, #tpu.memory_space<vmem>>, vector<1x16xf32>,
    %swap3A_789 = vector.shape_cast %swap3A_788 : vector<1x16xf32> to vector<16xf32>
    %swap3A_790 = vector.shape_cast %broadcast_in_dim3A_65 : vector<16xf32> to vector<1x16xf32>
    tpu.vector_store %arg8[%swap3A_786, %swap3A_787], %swap3A_790 {strides = array<i32>} : memref<16x128xf32, #tpu.memory_space<vmem>>, vector<1x16xf32>,
    %swap3A_791 = arith.constant 15 : i32
    %swap3A_792 = arith.index_cast %swap3A_791 : i32 to index
    %swap3A_793 = arith.constant 16 : index
    %swap3A_794 = tpu.vector_load %arg8[%swap3A_792, %swap3A_793] {strides = array<i32>} : memref<16x128xf32, #tpu.memory_space<vmem>>, vector<1x16xf32>,
    %swap3A_795 = vector.shape_cast %swap3A_794 : vector<1x16xf32> to vector<16xf32>
    %swap3A_796 = vector.shape_cast %broadcast_in_dim3A_65 : vector<16xf32> to vector<1x16xf32>
    tpu.vector_store %arg8[%swap3A_792, %swap3A_793], %swap3A_796 {strides = array<i32>} : memref<16x128xf32, #tpu.memory_space<vmem>>, vector<1x16xf32>,
    %swap3A_797 = arith.constant 15 : i32
    %swap3A_798 = arith.index_cast %swap3A_797 : i32 to index
    %swap3A_799 = arith.constant 32 : index
    %swap3A_800 = tpu.vector_load %arg8[%swap3A_798, %swap3A_799] {strides = array<i32>} : memref<16x128xf32, #tpu.memory_space<vmem>>, vector<1x16xf32>,
    %swap3A_801 = vector.shape_cast %swap3A_800 : vector<1x16xf32> to vector<16xf32>
    %swap3A_802 = vector.shape_cast %broadcast_in_dim3A_65 : vector<16xf32> to vector<1x16xf32>
    tpu.vector_store %arg8[%swap3A_798, %swap3A_799], %swap3A_802 {strides = array<i32>} : memref<16x128xf32, #tpu.memory_space<vmem>>, vector<1x16xf32>,
    %swap3A_803 = arith.constant 15 : i32
    %swap3A_804 = arith.index_cast %swap3A_803 : i32 to index
    %swap3A_805 = arith.constant 48 : index
    %swap3A_806 = tpu.vector_load %arg8[%swap3A_804, %swap3A_805] {strides = array<i32>} : memref<16x128xf32, #tpu.memory_space<vmem>>, vector<1x16xf32>,
    %swap3A_807 = vector.shape_cast %swap3A_806 : vector<1x16xf32> to vector<16xf32>
    %swap3A_808 = vector.shape_cast %broadcast_in_dim3A_65 : vector<16xf32> to vector<1x16xf32>
    tpu.vector_store %arg8[%swap3A_804, %swap3A_805], %swap3A_808 {strides = array<i32>} : memref<16x128xf32, #tpu.memory_space<vmem>>, vector<1x16xf32>,
    %swap3A_809 = arith.constant 15 : i32
    %swap3A_810 = arith.index_cast %swap3A_809 : i32 to index
    %swap3A_811 = arith.constant 64 : index
    %swap3A_812 = tpu.vector_load %arg8[%swap3A_810, %swap3A_811] {strides = array<i32>} : memref<16x128xf32, #tpu.memory_space<vmem>>, vector<1x16xf32>,
    %swap3A_813 = vector.shape_cast %swap3A_812 : vector<1x16xf32> to vector<16xf32>
    %swap3A_814 = vector.shape_cast %broadcast_in_dim3A_65 : vector<16xf32> to vector<1x16xf32>
    tpu.vector_store %arg8[%swap3A_810, %swap3A_811], %swap3A_814 {strides = array<i32>} : memref<16x128xf32, #tpu.memory_space<vmem>>, vector<1x16xf32>,
    %swap3A_815 = arith.constant 15 : i32
    %swap3A_816 = arith.index_cast %swap3A_815 : i32 to index
    %swap3A_817 = arith.constant 80 : index
    %swap3A_818 = tpu.vector_load %arg8[%swap3A_816, %swap3A_817] {strides = array<i32>} : memref<16x128xf32, #tpu.memory_space<vmem>>, vector<1x16xf32>,
    %swap3A_819 = vector.shape_cast %swap3A_818 : vector<1x16xf32> to vector<16xf32>
    %swap3A_820 = vector.shape_cast %broadcast_in_dim3A_65 : vector<16xf32> to vector<1x16xf32>
    tpu.vector_store %arg8[%swap3A_816, %swap3A_817], %swap3A_820 {strides = array<i32>} : memref<16x128xf32, #tpu.memory_space<vmem>>, vector<1x16xf32>,
    %swap3A_821 = arith.constant 15 : i32
    %swap3A_822 = arith.index_cast %swap3A_821 : i32 to index
    %swap3A_823 = arith.constant 96 : index
    %swap3A_824 = tpu.vector_load %arg8[%swap3A_822, %swap3A_823] {strides = array<i32>} : memref<16x128xf32, #tpu.memory_space<vmem>>, vector<1x16xf32>,
    %swap3A_825 = vector.shape_cast %swap3A_824 : vector<1x16xf32> to vector<16xf32>
    %swap3A_826 = vector.shape_cast %broadcast_in_dim3A_65 : vector<16xf32> to vector<1x16xf32>
    tpu.vector_store %arg8[%swap3A_822, %swap3A_823], %swap3A_826 {strides = array<i32>} : memref<16x128xf32, #tpu.memory_space<vmem>>, vector<1x16xf32>,
    %swap3A_827 = arith.constant 15 : i32
    %swap3A_828 = arith.index_cast %swap3A_827 : i32 to index
    %swap3A_829 = arith.constant 112 : index
    %swap3A_830 = tpu.vector_load %arg8[%swap3A_828, %swap3A_829] {strides = array<i32>} : memref<16x128xf32, #tpu.memory_space<vmem>>, vector<1x16xf32>,
    %swap3A_831 = vector.shape_cast %swap3A_830 : vector<1x16xf32> to vector<16xf32>
    %swap3A_832 = vector.shape_cast %broadcast_in_dim3A_65 : vector<16xf32> to vector<1x16xf32>
    tpu.vector_store %arg8[%swap3A_828, %swap3A_829], %swap3A_832 {strides = array<i32>} : memref<16x128xf32, #tpu.memory_space<vmem>>, vector<1x16xf32>,
    %mul3A_833 = arith.constant 624 : i32
    %mul3A_834 = arith.muli %arg1, %mul3A_833 : i32
    %scan3A = arith.constant 0 : i32
    %scan3A_835 = arith.constant 9 : i32
    %scan3A_836 = arith.addi %scan3A, %scan3A_835 : i32
    %scan3A_837 = arith.constant 1 : i32
    scf.for %scan3A_976 = %scan3A to %scan3A_836 step %scan3A_837  : i32 {
      %mul3A_977 = arith.constant 1 : i32
      %mul3A_978 = arith.muli %scan3A_976, %mul3A_977 : i32
      %add3A_979 = arith.constant 0 : i32
      %add3A_980 = arith.addi %add3A_979, %mul3A_978 : i32
      %mul3A_981 = arith.constant 4 : i32
      %mul3A_982 = arith.muli %add3A_980, %mul3A_981 : i32
      %add3A_983 = arith.constant 0 : i32
      %add3A_984 = arith.addi %mul3A_982, %add3A_983 : i32
      %mul3A_985 = arith.constant 16 : i32
      %mul3A_986 = arith.muli %add3A_984, %mul3A_985 : i32
      %add3A_987 = arith.addi %mul3A_834, %mul3A_986 : i32
      %dma_start3A_988 = arith.constant 0 : i32
      %dma_start3A_989 = arith.constant 0 : i32
      %dma_start3A_990 = tpu.memref_slice %arg8[%dma_start3A_988, %dma_start3A_989] : memref<16x128xf32, #tpu.memory_space<vmem>> -> memref<16x128xf32, #tpu.memory_space<vmem>>
      %dma_start3A_991 = arith.constant 0 : i32
      %dma_start3A_992 = tpu.memref_slice %arg5[%add3A_987, %dma_start3A_991] : memref<10000x128xf32, #tpu.memory_space<vmem_shared>> -> memref<16x128xf32, #tpu.memory_space<vmem_shared>>
      %dma_start3A_993 = arith.constant 0 : i32
      %dma_start3A_994 = tpu.memref_slice %arg5[%add3A_987, %dma_start3A_993] : memref<10000x128xf32, #tpu.memory_space<vmem_shared>> -> memref<16x128xf32, #tpu.memory_space<vmem_shared>>
      %dma_start3A_995 = arith.constant 0 : i32
      %dma_start3A_996 = arith.constant 0 : i32
      %dma_start3A_997 = tpu.memref_slice %arg8[%dma_start3A_995, %dma_start3A_996] : memref<16x128xf32, #tpu.memory_space<vmem>> -> memref<16x128xf32, #tpu.memory_space<vmem>>
      tpu.enqueue_dma source(%dma_start3A_997 : memref<16x128xf32, #tpu.memory_space<vmem>>) target(%dma_start3A_994 : memref<16x128xf32, #tpu.memory_space<vmem_shared>>) target_semaphore(%arg10 : memref<!tpu.dma_semaphore, #tpu.memory_space<semaphore_mem>>)
      %mul3A_998 = arith.constant 4 : i32
      %mul3A_999 = arith.muli %add3A_980, %mul3A_998 : i32
      %add3A_1000 = arith.constant 1 : i32
      %add3A_1001 = arith.addi %mul3A_999, %add3A_1000 : i32
      %mul3A_1002 = arith.constant 16 : i32
      %mul3A_1003 = arith.muli %add3A_1001, %mul3A_1002 : i32
      %add3A_1004 = arith.addi %mul3A_834, %mul3A_1003 : i32
      %dma_start3A_1005 = arith.constant 0 : i32
      %dma_start3A_1006 = arith.constant 0 : i32
      %dma_start3A_1007 = tpu.memref_slice %arg8[%dma_start3A_1005, %dma_start3A_1006] : memref<16x128xf32, #tpu.memory_space<vmem>> -> memref<16x128xf32, #tpu.memory_space<vmem>>
      %dma_start3A_1008 = arith.constant 0 : i32
      %dma_start3A_1009 = tpu.memref_slice %arg5[%add3A_1004, %dma_start3A_1008] : memref<10000x128xf32, #tpu.memory_space<vmem_shared>> -> memref<16x128xf32, #tpu.memory_space<vmem_shared>>
      %dma_start3A_1010 = arith.constant 0 : i32
      %dma_start3A_1011 = tpu.memref_slice %arg5[%add3A_1004, %dma_start3A_1010] : memref<10000x128xf32, #tpu.memory_space<vmem_shared>> -> memref<16x128xf32, #tpu.memory_space<vmem_shared>>
      %dma_start3A_1012 = arith.constant 0 : i32
      %dma_start3A_1013 = arith.constant 0 : i32
      %dma_start3A_1014 = tpu.memref_slice %arg8[%dma_start3A_1012, %dma_start3A_1013] : memref<16x128xf32, #tpu.memory_space<vmem>> -> memref<16x128xf32, #tpu.memory_space<vmem>>
      tpu.enqueue_dma source(%dma_start3A_1014 : memref<16x128xf32, #tpu.memory_space<vmem>>) target(%dma_start3A_1011 : memref<16x128xf32, #tpu.memory_space<vmem_shared>>) target_semaphore(%arg10 : memref<!tpu.dma_semaphore, #tpu.memory_space<semaphore_mem>>)
      %mul3A_1015 = arith.constant 4 : i32
      %mul3A_1016 = arith.muli %add3A_980, %mul3A_1015 : i32
      %add3A_1017 = arith.constant 2 : i32
      %add3A_1018 = arith.addi %mul3A_1016, %add3A_1017 : i32
      %mul3A_1019 = arith.constant 16 : i32
      %mul3A_1020 = arith.muli %add3A_1018, %mul3A_1019 : i32
      %add3A_1021 = arith.addi %mul3A_834, %mul3A_1020 : i32
      %dma_start3A_1022 = arith.constant 0 : i32
      %dma_start3A_1023 = arith.constant 0 : i32
      %dma_start3A_1024 = tpu.memref_slice %arg8[%dma_start3A_1022, %dma_start3A_1023] : memref<16x128xf32, #tpu.memory_space<vmem>> -> memref<16x128xf32, #tpu.memory_space<vmem>>
      %dma_start3A_1025 = arith.constant 0 : i32
      %dma_start3A_1026 = tpu.memref_slice %arg5[%add3A_1021, %dma_start3A_1025] : memref<10000x128xf32, #tpu.memory_space<vmem_shared>> -> memref<16x128xf32, #tpu.memory_space<vmem_shared>>
      %dma_start3A_1027 = arith.constant 0 : i32
      %dma_start3A_1028 = tpu.memref_slice %arg5[%add3A_1021, %dma_start3A_1027] : memref<10000x128xf32, #tpu.memory_space<vmem_shared>> -> memref<16x128xf32, #tpu.memory_space<vmem_shared>>
      %dma_start3A_1029 = arith.constant 0 : i32
      %dma_start3A_1030 = arith.constant 0 : i32
      %dma_start3A_1031 = tpu.memref_slice %arg8[%dma_start3A_1029, %dma_start3A_1030] : memref<16x128xf32, #tpu.memory_space<vmem>> -> memref<16x128xf32, #tpu.memory_space<vmem>>
      tpu.enqueue_dma source(%dma_start3A_1031 : memref<16x128xf32, #tpu.memory_space<vmem>>) target(%dma_start3A_1028 : memref<16x128xf32, #tpu.memory_space<vmem_shared>>) target_semaphore(%arg10 : memref<!tpu.dma_semaphore, #tpu.memory_space<semaphore_mem>>)
      %mul3A_1032 = arith.constant 4 : i32
      %mul3A_1033 = arith.muli %add3A_980, %mul3A_1032 : i32
      %add3A_1034 = arith.constant 3 : i32
      %add3A_1035 = arith.addi %mul3A_1033, %add3A_1034 : i32
      %mul3A_1036 = arith.constant 16 : i32
      %mul3A_1037 = arith.muli %add3A_1035, %mul3A_1036 : i32
      %add3A_1038 = arith.addi %mul3A_834, %mul3A_1037 : i32
      %dma_start3A_1039 = arith.constant 0 : i32
      %dma_start3A_1040 = arith.constant 0 : i32
      %dma_start3A_1041 = tpu.memref_slice %arg8[%dma_start3A_1039, %dma_start3A_1040] : memref<16x128xf32, #tpu.memory_space<vmem>> -> memref<16x128xf32, #tpu.memory_space<vmem>>
      %dma_start3A_1042 = arith.constant 0 : i32
      %dma_start3A_1043 = tpu.memref_slice %arg5[%add3A_1038, %dma_start3A_1042] : memref<10000x128xf32, #tpu.memory_space<vmem_shared>> -> memref<16x128xf32, #tpu.memory_space<vmem_shared>>
      %dma_start3A_1044 = arith.constant 0 : i32
      %dma_start3A_1045 = tpu.memref_slice %arg5[%add3A_1038, %dma_start3A_1044] : memref<10000x128xf32, #tpu.memory_space<vmem_shared>> -> memref<16x128xf32, #tpu.memory_space<vmem_shared>>
      %dma_start3A_1046 = arith.constant 0 : i32
      %dma_start3A_1047 = arith.constant 0 : i32
      %dma_start3A_1048 = tpu.memref_slice %arg8[%dma_start3A_1046, %dma_start3A_1047] : memref<16x128xf32, #tpu.memory_space<vmem>> -> memref<16x128xf32, #tpu.memory_space<vmem>>
      tpu.enqueue_dma source(%dma_start3A_1048 : memref<16x128xf32, #tpu.memory_space<vmem>>) target(%dma_start3A_1045 : memref<16x128xf32, #tpu.memory_space<vmem_shared>>) target_semaphore(%arg10 : memref<!tpu.dma_semaphore, #tpu.memory_space<semaphore_mem>>)
      %mul3A_1049 = arith.constant 4 : i32
      %mul3A_1050 = arith.muli %add3A_980, %mul3A_1049 : i32
      %add3A_1051 = arith.constant 0 : i32
      %add3A_1052 = arith.addi %mul3A_1050, %add3A_1051 : i32
      %mul3A_1053 = arith.constant 16 : i32
      %mul3A_1054 = arith.muli %add3A_1052, %mul3A_1053 : i32
      %add3A_1055 = arith.addi %mul3A_834, %mul3A_1054 : i32
      %dma_wait3A_1056 = arith.constant 0 : i32
      %dma_wait3A_1057 = arith.constant 0 : i32
      %dma_wait3A_1058 = tpu.memref_slice %arg8[%dma_wait3A_1056, %dma_wait3A_1057] : memref<16x128xf32, #tpu.memory_space<vmem>> -> memref<16x128xf32, #tpu.memory_space<vmem>>
      %dma_wait3A_1059 = arith.constant 0 : i32
      %dma_wait3A_1060 = tpu.memref_slice %arg5[%add3A_1055, %dma_wait3A_1059] : memref<10000x128xf32, #tpu.memory_space<vmem_shared>> -> memref<16x128xf32, #tpu.memory_space<vmem_shared>>
      %dma_wait3A_1061 = arith.constant 0 : i32
      %dma_wait3A_1062 = tpu.memref_slice %arg5[%add3A_1055, %dma_wait3A_1061] : memref<10000x128xf32, #tpu.memory_space<vmem_shared>> -> memref<16x128xf32, #tpu.memory_space<vmem_shared>>
      %dma_wait3A_1063 = arith.constant 0 : i32
      %dma_wait3A_1064 = arith.constant 0 : i32
      %dma_wait3A_1065 = tpu.memref_slice %arg8[%dma_wait3A_1063, %dma_wait3A_1064] : memref<16x128xf32, #tpu.memory_space<vmem>> -> memref<16x128xf32, #tpu.memory_space<vmem>>
      tpu.wait_dma2 semaphore(%arg10 : memref<!tpu.dma_semaphore, #tpu.memory_space<semaphore_mem>>) src(%dma_wait3A_1065 : memref<16x128xf32, #tpu.memory_space<vmem>>) dst(%dma_wait3A_1062 : memref<16x128xf32, #tpu.memory_space<vmem_shared>>)
      %mul3A_1066 = arith.constant 4 : i32
      %mul3A_1067 = arith.muli %add3A_980, %mul3A_1066 : i32
      %add3A_1068 = arith.constant 1 : i32
      %add3A_1069 = arith.addi %mul3A_1067, %add3A_1068 : i32
      %mul3A_1070 = arith.constant 16 : i32
      %mul3A_1071 = arith.muli %add3A_1069, %mul3A_1070 : i32
      %add3A_1072 = arith.addi %mul3A_834, %mul3A_1071 : i32
      %dma_wait3A_1073 = arith.constant 0 : i32
      %dma_wait3A_1074 = arith.constant 0 : i32
      %dma_wait3A_1075 = tpu.memref_slice %arg8[%dma_wait3A_1073, %dma_wait3A_1074] : memref<16x128xf32, #tpu.memory_space<vmem>> -> memref<16x128xf32, #tpu.memory_space<vmem>>
      %dma_wait3A_1076 = arith.constant 0 : i32
      %dma_wait3A_1077 = tpu.memref_slice %arg5[%add3A_1072, %dma_wait3A_1076] : memref<10000x128xf32, #tpu.memory_space<vmem_shared>> -> memref<16x128xf32, #tpu.memory_space<vmem_shared>>
      %dma_wait3A_1078 = arith.constant 0 : i32
      %dma_wait3A_1079 = tpu.memref_slice %arg5[%add3A_1072, %dma_wait3A_1078] : memref<10000x128xf32, #tpu.memory_space<vmem_shared>> -> memref<16x128xf32, #tpu.memory_space<vmem_shared>>
      %dma_wait3A_1080 = arith.constant 0 : i32
      %dma_wait3A_1081 = arith.constant 0 : i32
      %dma_wait3A_1082 = tpu.memref_slice %arg8[%dma_wait3A_1080, %dma_wait3A_1081] : memref<16x128xf32, #tpu.memory_space<vmem>> -> memref<16x128xf32, #tpu.memory_space<vmem>>
      tpu.wait_dma2 semaphore(%arg10 : memref<!tpu.dma_semaphore, #tpu.memory_space<semaphore_mem>>) src(%dma_wait3A_1082 : memref<16x128xf32, #tpu.memory_space<vmem>>) dst(%dma_wait3A_1079 : memref<16x128xf32, #tpu.memory_space<vmem_shared>>)
      %mul3A_1083 = arith.constant 4 : i32
      %mul3A_1084 = arith.muli %add3A_980, %mul3A_1083 : i32
      %add3A_1085 = arith.constant 2 : i32
      %add3A_1086 = arith.addi %mul3A_1084, %add3A_1085 : i32
      %mul3A_1087 = arith.constant 16 : i32
      %mul3A_1088 = arith.muli %add3A_1086, %mul3A_1087 : i32
      %add3A_1089 = arith.addi %mul3A_834, %mul3A_1088 : i32
      %dma_wait3A_1090 = arith.constant 0 : i32
      %dma_wait3A_1091 = arith.constant 0 : i32
      %dma_wait3A_1092 = tpu.memref_slice %arg8[%dma_wait3A_1090, %dma_wait3A_1091] : memref<16x128xf32, #tpu.memory_space<vmem>> -> memref<16x128xf32, #tpu.memory_space<vmem>>
      %dma_wait3A_1093 = arith.constant 0 : i32
      %dma_wait3A_1094 = tpu.memref_slice %arg5[%add3A_1089, %dma_wait3A_1093] : memref<10000x128xf32, #tpu.memory_space<vmem_shared>> -> memref<16x128xf32, #tpu.memory_space<vmem_shared>>
      %dma_wait3A_1095 = arith.constant 0 : i32
      %dma_wait3A_1096 = tpu.memref_slice %arg5[%add3A_1089, %dma_wait3A_1095] : memref<10000x128xf32, #tpu.memory_space<vmem_shared>> -> memref<16x128xf32, #tpu.memory_space<vmem_shared>>
      %dma_wait3A_1097 = arith.constant 0 : i32
      %dma_wait3A_1098 = arith.constant 0 : i32
      %dma_wait3A_1099 = tpu.memref_slice %arg8[%dma_wait3A_1097, %dma_wait3A_1098] : memref<16x128xf32, #tpu.memory_space<vmem>> -> memref<16x128xf32, #tpu.memory_space<vmem>>
      tpu.wait_dma2 semaphore(%arg10 : memref<!tpu.dma_semaphore, #tpu.memory_space<semaphore_mem>>) src(%dma_wait3A_1099 : memref<16x128xf32, #tpu.memory_space<vmem>>) dst(%dma_wait3A_1096 : memref<16x128xf32, #tpu.memory_space<vmem_shared>>)
      %mul3A_1100 = arith.constant 4 : i32
      %mul3A_1101 = arith.muli %add3A_980, %mul3A_1100 : i32
      %add3A_1102 = arith.constant 3 : i32
      %add3A_1103 = arith.addi %mul3A_1101, %add3A_1102 : i32
      %mul3A_1104 = arith.constant 16 : i32
      %mul3A_1105 = arith.muli %add3A_1103, %mul3A_1104 : i32
      %add3A_1106 = arith.addi %mul3A_834, %mul3A_1105 : i32
      %dma_wait3A_1107 = arith.constant 0 : i32
      %dma_wait3A_1108 = arith.constant 0 : i32
      %dma_wait3A_1109 = tpu.memref_slice %arg8[%dma_wait3A_1107, %dma_wait3A_1108] : memref<16x128xf32, #tpu.memory_space<vmem>> -> memref<16x128xf32, #tpu.memory_space<vmem>>
      %dma_wait3A_1110 = arith.constant 0 : i32
      %dma_wait3A_1111 = tpu.memref_slice %arg5[%add3A_1106, %dma_wait3A_1110] : memref<10000x128xf32, #tpu.memory_space<vmem_shared>> -> memref<16x128xf32, #tpu.memory_space<vmem_shared>>
      %dma_wait3A_1112 = arith.constant 0 : i32
      %dma_wait3A_1113 = tpu.memref_slice %arg5[%add3A_1106, %dma_wait3A_1112] : memref<10000x128xf32, #tpu.memory_space<vmem_shared>> -> memref<16x128xf32, #tpu.memory_space<vmem_shared>>
      %dma_wait3A_1114 = arith.constant 0 : i32
      %dma_wait3A_1115 = arith.constant 0 : i32
      %dma_wait3A_1116 = tpu.memref_slice %arg8[%dma_wait3A_1114, %dma_wait3A_1115] : memref<16x128xf32, #tpu.memory_space<vmem>> -> memref<16x128xf32, #tpu.memory_space<vmem>>
      tpu.wait_dma2 semaphore(%arg10 : memref<!tpu.dma_semaphore, #tpu.memory_space<semaphore_mem>>) src(%dma_wait3A_1116 : memref<16x128xf32, #tpu.memory_space<vmem>>) dst(%dma_wait3A_1113 : memref<16x128xf32, #tpu.memory_space<vmem_shared>>)
    }
    %scan3A_838 = arith.constant 9 : i32
    %add3A_839 = arith.constant 576 : i32
    %add3A_840 = arith.addi %mul3A_834, %add3A_839 : i32
    %dma_start3A_841 = arith.constant 0 : i32
    %dma_start3A_842 = arith.constant 0 : i32
    %dma_start3A_843 = tpu.memref_slice %arg8[%dma_start3A_841, %dma_start3A_842] : memref<16x128xf32, #tpu.memory_space<vmem>> -> memref<16x128xf32, #tpu.memory_space<vmem>>
    %dma_start3A_844 = arith.constant 0 : i32
    %dma_start3A_845 = tpu.memref_slice %arg5[%add3A_840, %dma_start3A_844] : memref<10000x128xf32, #tpu.memory_space<vmem_shared>> -> memref<16x128xf32, #tpu.memory_space<vmem_shared>>
    %dma_start3A_846 = arith.constant 0 : i32
    %dma_start3A_847 = tpu.memref_slice %arg5[%add3A_840, %dma_start3A_846] : memref<10000x128xf32, #tpu.memory_space<vmem_shared>> -> memref<16x128xf32, #tpu.memory_space<vmem_shared>>
    %dma_start3A_848 = arith.constant 0 : i32
    %dma_start3A_849 = arith.constant 0 : i32
    %dma_start3A_850 = tpu.memref_slice %arg8[%dma_start3A_848, %dma_start3A_849] : memref<16x128xf32, #tpu.memory_space<vmem>> -> memref<16x128xf32, #tpu.memory_space<vmem>>
    tpu.enqueue_dma source(%dma_start3A_850 : memref<16x128xf32, #tpu.memory_space<vmem>>) target(%dma_start3A_847 : memref<16x128xf32, #tpu.memory_space<vmem_shared>>) target_semaphore(%arg10 : memref<!tpu.dma_semaphore, #tpu.memory_space<semaphore_mem>>)
    %add3A_851 = arith.constant 592 : i32
    %add3A_852 = arith.addi %mul3A_834, %add3A_851 : i32
    %dma_start3A_853 = arith.constant 0 : i32
    %dma_start3A_854 = arith.constant 0 : i32
    %dma_start3A_855 = tpu.memref_slice %arg8[%dma_start3A_853, %dma_start3A_854] : memref<16x128xf32, #tpu.memory_space<vmem>> -> memref<16x128xf32, #tpu.memory_space<vmem>>
    %dma_start3A_856 = arith.constant 0 : i32
    %dma_start3A_857 = tpu.memref_slice %arg5[%add3A_852, %dma_start3A_856] : memref<10000x128xf32, #tpu.memory_space<vmem_shared>> -> memref<16x128xf32, #tpu.memory_space<vmem_shared>>
    %dma_start3A_858 = arith.constant 0 : i32
    %dma_start3A_859 = tpu.memref_slice %arg5[%add3A_852, %dma_start3A_858] : memref<10000x128xf32, #tpu.memory_space<vmem_shared>> -> memref<16x128xf32, #tpu.memory_space<vmem_shared>>
    %dma_start3A_860 = arith.constant 0 : i32
    %dma_start3A_861 = arith.constant 0 : i32
    %dma_start3A_862 = tpu.memref_slice %arg8[%dma_start3A_860, %dma_start3A_861] : memref<16x128xf32, #tpu.memory_space<vmem>> -> memref<16x128xf32, #tpu.memory_space<vmem>>
    tpu.enqueue_dma source(%dma_start3A_862 : memref<16x128xf32, #tpu.memory_space<vmem>>) target(%dma_start3A_859 : memref<16x128xf32, #tpu.memory_space<vmem_shared>>) target_semaphore(%arg10 : memref<!tpu.dma_semaphore, #tpu.memory_space<semaphore_mem>>)
    %add3A_863 = arith.constant 608 : i32
    %add3A_864 = arith.addi %mul3A_834, %add3A_863 : i32
    %dma_start3A_865 = arith.constant 0 : i32
    %dma_start3A_866 = arith.constant 0 : i32
    %dma_start3A_867 = tpu.memref_slice %arg8[%dma_start3A_865, %dma_start3A_866] : memref<16x128xf32, #tpu.memory_space<vmem>> -> memref<16x128xf32, #tpu.memory_space<vmem>>
    %dma_start3A_868 = arith.constant 0 : i32
    %dma_start3A_869 = tpu.memref_slice %arg5[%add3A_864, %dma_start3A_868] : memref<10000x128xf32, #tpu.memory_space<vmem_shared>> -> memref<16x128xf32, #tpu.memory_space<vmem_shared>>
    %dma_start3A_870 = arith.constant 0 : i32
    %dma_start3A_871 = tpu.memref_slice %arg5[%add3A_864, %dma_start3A_870] : memref<10000x128xf32, #tpu.memory_space<vmem_shared>> -> memref<16x128xf32, #tpu.memory_space<vmem_shared>>
    %dma_start3A_872 = arith.constant 0 : i32
    %dma_start3A_873 = arith.constant 0 : i32
    %dma_start3A_874 = tpu.memref_slice %arg8[%dma_start3A_872, %dma_start3A_873] : memref<16x128xf32, #tpu.memory_space<vmem>> -> memref<16x128xf32, #tpu.memory_space<vmem>>
    tpu.enqueue_dma source(%dma_start3A_874 : memref<16x128xf32, #tpu.memory_space<vmem>>) target(%dma_start3A_871 : memref<16x128xf32, #tpu.memory_space<vmem_shared>>) target_semaphore(%arg10 : memref<!tpu.dma_semaphore, #tpu.memory_space<semaphore_mem>>)
    %eq3A = arith.constant 15 : i32
    %eq3A_875 = arith.cmpi eq, %arg1, %eq3A : i32
    %convert_element_type3A = arith.extui %eq3A_875 : i1 to i32
    %cond3A = arith.constant 0 : i32
    %cond3A_876 = arith.cmpi ne, %convert_element_type3A, %cond3A : i32
    scf.if %cond3A_876 {
      %dma_start3A_976 = arith.constant 0 : i32
      %dma_start3A_977 = arith.constant 0 : i32
      %dma_start3A_978 = tpu.memref_slice %arg8[%dma_start3A_976, %dma_start3A_977] : memref<16x128xf32, #tpu.memory_space<vmem>> -> memref<16x128xf32, #tpu.memory_space<vmem>>
      %dma_start3A_979 = arith.constant 9984 : i32
      %dma_start3A_980 = arith.constant 0 : i32
      %dma_start3A_981 = tpu.memref_slice %arg5[%dma_start3A_979, %dma_start3A_980] : memref<10000x128xf32, #tpu.memory_space<vmem_shared>> -> memref<16x128xf32, #tpu.memory_space<vmem_shared>>
      %dma_start3A_982 = arith.constant 9984 : i32
      %dma_start3A_983 = arith.constant 0 : i32
      %dma_start3A_984 = tpu.memref_slice %arg5[%dma_start3A_982, %dma_start3A_983] : memref<10000x128xf32, #tpu.memory_space<vmem_shared>> -> memref<16x128xf32, #tpu.memory_space<vmem_shared>>
      %dma_start3A_985 = arith.constant 0 : i32
      %dma_start3A_986 = arith.constant 0 : i32
      %dma_start3A_987 = tpu.memref_slice %arg8[%dma_start3A_985, %dma_start3A_986] : memref<16x128xf32, #tpu.memory_space<vmem>> -> memref<16x128xf32, #tpu.memory_space<vmem>>
      tpu.enqueue_dma source(%dma_start3A_987 : memref<16x128xf32, #tpu.memory_space<vmem>>) target(%dma_start3A_984 : memref<16x128xf32, #tpu.memory_space<vmem_shared>>) target_semaphore(%arg10 : memref<!tpu.dma_semaphore, #tpu.memory_space<semaphore_mem>>)
    } else {
    }
    %add3A_877 = arith.constant 576 : i32
    %add3A_878 = arith.addi %mul3A_834, %add3A_877 : i32
    %dma_wait3A = arith.constant 0 : i32
    %dma_wait3A_879 = arith.constant 0 : i32
    %dma_wait3A_880 = tpu.memref_slice %arg8[%dma_wait3A, %dma_wait3A_879] : memref<16x128xf32, #tpu.memory_space<vmem>> -> memref<16x128xf32, #tpu.memory_space<vmem>>
    %dma_wait3A_881 = arith.constant 0 : i32
    %dma_wait3A_882 = tpu.memref_slice %arg5[%add3A_878, %dma_wait3A_881] : memref<10000x128xf32, #tpu.memory_space<vmem_shared>> -> memref<16x128xf32, #tpu.memory_space<vmem_shared>>
    %dma_wait3A_883 = arith.constant 0 : i32
    %dma_wait3A_884 = tpu.memref_slice %arg5[%add3A_878, %dma_wait3A_883] : memref<10000x128xf32, #tpu.memory_space<vmem_shared>> -> memref<16x128xf32, #tpu.memory_space<vmem_shared>>
    %dma_wait3A_885 = arith.constant 0 : i32
    %dma_wait3A_886 = arith.constant 0 : i32
    %dma_wait3A_887 = tpu.memref_slice %arg8[%dma_wait3A_885, %dma_wait3A_886] : memref<16x128xf32, #tpu.memory_space<vmem>> -> memref<16x128xf32, #tpu.memory_space<vmem>>
    tpu.wait_dma2 semaphore(%arg10 : memref<!tpu.dma_semaphore, #tpu.memory_space<semaphore_mem>>) src(%dma_wait3A_887 : memref<16x128xf32, #tpu.memory_space<vmem>>) dst(%dma_wait3A_884 : memref<16x128xf32, #tpu.memory_space<vmem_shared>>)
    %add3A_888 = arith.constant 592 : i32
    %add3A_889 = arith.addi %mul3A_834, %add3A_888 : i32
    %dma_wait3A_890 = arith.constant 0 : i32
    %dma_wait3A_891 = arith.constant 0 : i32
    %dma_wait3A_892 = tpu.memref_slice %arg8[%dma_wait3A_890, %dma_wait3A_891] : memref<16x128xf32, #tpu.memory_space<vmem>> -> memref<16x128xf32, #tpu.memory_space<vmem>>
    %dma_wait3A_893 = arith.constant 0 : i32
    %dma_wait3A_894 = tpu.memref_slice %arg5[%add3A_889, %dma_wait3A_893] : memref<10000x128xf32, #tpu.memory_space<vmem_shared>> -> memref<16x128xf32, #tpu.memory_space<vmem_shared>>
    %dma_wait3A_895 = arith.constant 0 : i32
    %dma_wait3A_896 = tpu.memref_slice %arg5[%add3A_889, %dma_wait3A_895] : memref<10000x128xf32, #tpu.memory_space<vmem_shared>> -> memref<16x128xf32, #tpu.memory_space<vmem_shared>>
    %dma_wait3A_897 = arith.constant 0 : i32
    %dma_wait3A_898 = arith.constant 0 : i32
    %dma_wait3A_899 = tpu.memref_slice %arg8[%dma_wait3A_897, %dma_wait3A_898] : memref<16x128xf32, #tpu.memory_space<vmem>> -> memref<16x128xf32, #tpu.memory_space<vmem>>
    tpu.wait_dma2 semaphore(%arg10 : memref<!tpu.dma_semaphore, #tpu.memory_space<semaphore_mem>>) src(%dma_wait3A_899 : memref<16x128xf32, #tpu.memory_space<vmem>>) dst(%dma_wait3A_896 : memref<16x128xf32, #tpu.memory_space<vmem_shared>>)
    %add3A_900 = arith.constant 608 : i32
    %add3A_901 = arith.addi %mul3A_834, %add3A_900 : i32
    %dma_wait3A_902 = arith.constant 0 : i32
    %dma_wait3A_903 = arith.constant 0 : i32
    %dma_wait3A_904 = tpu.memref_slice %arg8[%dma_wait3A_902, %dma_wait3A_903] : memref<16x128xf32, #tpu.memory_space<vmem>> -> memref<16x128xf32, #tpu.memory_space<vmem>>
    %dma_wait3A_905 = arith.constant 0 : i32
    %dma_wait3A_906 = tpu.memref_slice %arg5[%add3A_901, %dma_wait3A_905] : memref<10000x128xf32, #tpu.memory_space<vmem_shared>> -> memref<16x128xf32, #tpu.memory_space<vmem_shared>>
    %dma_wait3A_907 = arith.constant 0 : i32
    %dma_wait3A_908 = tpu.memref_slice %arg5[%add3A_901, %dma_wait3A_907] : memref<10000x128xf32, #tpu.memory_space<vmem_shared>> -> memref<16x128xf32, #tpu.memory_space<vmem_shared>>
    %dma_wait3A_909 = arith.constant 0 : i32
    %dma_wait3A_910 = arith.constant 0 : i32
    %dma_wait3A_911 = tpu.memref_slice %arg8[%dma_wait3A_909, %dma_wait3A_910] : memref<16x128xf32, #tpu.memory_space<vmem>> -> memref<16x128xf32, #tpu.memory_space<vmem>>
    tpu.wait_dma2 semaphore(%arg10 : memref<!tpu.dma_semaphore, #tpu.memory_space<semaphore_mem>>) src(%dma_wait3A_911 : memref<16x128xf32, #tpu.memory_space<vmem>>) dst(%dma_wait3A_908 : memref<16x128xf32, #tpu.memory_space<vmem_shared>>)
    %eq3A_912 = arith.constant 15 : i32
    %eq3A_913 = arith.cmpi eq, %arg1, %eq3A_912 : i32
    %convert_element_type3A_914 = arith.extui %eq3A_913 : i1 to i32
    %cond3A_915 = arith.constant 0 : i32
    %cond3A_916 = arith.cmpi ne, %convert_element_type3A_914, %cond3A_915 : i32
    scf.if %cond3A_916 {
      %dma_wait3A_976 = arith.constant 0 : i32
      %dma_wait3A_977 = arith.constant 0 : i32
      %dma_wait3A_978 = tpu.memref_slice %arg8[%dma_wait3A_976, %dma_wait3A_977] : memref<16x128xf32, #tpu.memory_space<vmem>> -> memref<16x128xf32, #tpu.memory_space<vmem>>
      %dma_wait3A_979 = arith.constant 9984 : i32
      %dma_wait3A_980 = arith.constant 0 : i32
      %dma_wait3A_981 = tpu.memref_slice %arg5[%dma_wait3A_979, %dma_wait3A_980] : memref<10000x128xf32, #tpu.memory_space<vmem_shared>> -> memref<16x128xf32, #tpu.memory_space<vmem_shared>>
      %dma_wait3A_982 = arith.constant 9984 : i32
      %dma_wait3A_983 = arith.constant 0 : i32
      %dma_wait3A_984 = tpu.memref_slice %arg5[%dma_wait3A_982, %dma_wait3A_983] : memref<10000x128xf32, #tpu.memory_space<vmem_shared>> -> memref<16x128xf32, #tpu.memory_space<vmem_shared>>
      %dma_wait3A_985 = arith.constant 0 : i32
      %dma_wait3A_986 = arith.constant 0 : i32
      %dma_wait3A_987 = tpu.memref_slice %arg8[%dma_wait3A_985, %dma_wait3A_986] : memref<16x128xf32, #tpu.memory_space<vmem>> -> memref<16x128xf32, #tpu.memory_space<vmem>>
      tpu.wait_dma2 semaphore(%arg10 : memref<!tpu.dma_semaphore, #tpu.memory_space<semaphore_mem>>) src(%dma_wait3A_987 : memref<16x128xf32, #tpu.memory_space<vmem>>) dst(%dma_wait3A_984 : memref<16x128xf32, #tpu.memory_space<vmem_shared>>)
    } else {
    }
    %barrier3A = arith.constant 0 : index
    tpu.barrier barrier_id(%barrier3A)
    %dma_wait3A_917 = arith.constant 1 : i32
    %dma_wait3A_918 = arith.constant 0 : i32
    %dma_wait3A_919 = arith.constant 0 : i32
    %dma_wait3A_920 = tpu.memref_slice %arg2[%dma_wait3A_917, %add3A, %dma_wait3A_918, %dma_wait3A_919] : memref<2x32x125x80xi32, #tpu.memory_space<hbm>> -> memref<1x1x125x80xi32, #tpu.memory_space<hbm>>
    %dma_wait3A_921 = tpu.memref_squeeze %dma_wait3A_920 : memref<1x1x125x80xi32, #tpu.memory_space<hbm>> -> memref<125x80xi32, #tpu.memory_space<hbm>>
    %dma_wait3A_922 = arith.constant 0 : i32
    %dma_wait3A_923 = arith.constant 0 : i32
    %dma_wait3A_924 = tpu.memref_slice %arg2[%dma_wait3A_917, %add3A, %dma_wait3A_922, %dma_wait3A_923] : memref<2x32x125x80xi32, #tpu.memory_space<hbm>> -> memref<1x1x125x80xi32, #tpu.memory_space<hbm>>
    %dma_wait3A_925 = tpu.memref_squeeze %dma_wait3A_924 : memref<1x1x125x80xi32, #tpu.memory_space<hbm>> -> memref<125x80xi32, #tpu.memory_space<hbm>>
    tpu.wait_dma2 semaphore(%arg11 : memref<!tpu.dma_semaphore, #tpu.memory_space<semaphore_mem>>) src(%dma_wait3A_925 : memref<125x80xi32, #tpu.memory_space<hbm>>) dst(%arg6 : memref<125x80xi32, #tpu.memory_space<vmem>>)
    %scan3A_926 = arith.constant 0 : i32
    %scan3A_927 = arith.constant 41 : i32
    %scan3A_928 = arith.addi %scan3A_926, %scan3A_927 : i32
    %scan3A_929 = arith.constant 1 : i32
    scf.for %scan3A_976 = %scan3A_926 to %scan3A_928 step %scan3A_929  : i32 {
      %mul3A_977 = arith.constant 1 : i32
      %mul3A_978 = arith.muli %scan3A_976, %mul3A_977 : i32
      %add3A_979 = arith.constant 0 : i32
      %add3A_980 = arith.addi %add3A_979, %mul3A_978 : i32
      %mul3A_981 = arith.constant 3 : i32
      %mul3A_982 = arith.muli %add3A_980, %mul3A_981 : i32
      %add3A_983 = arith.constant 0 : i32
      %add3A_984 = arith.addi %mul3A_982, %add3A_983 : i32
      %mul3A_985 = arith.constant 80 : i32
      %mul3A_986 = arith.muli %add3A_984, %mul3A_985 : i32
      %add3A_987 = arith.addi %mul3A_2, %mul3A_986 : i32
      %dma_wait3A_988 = arith.constant 0 : i32
      %dma_wait3A_989 = arith.constant 0 : i32
      %dma_wait3A_990 = arith.constant 0 : i32
      %dma_wait3A_991 = arith.constant 0 : i32
      %dma_wait3A_992 = tpu.memref_slice %arg7[%dma_wait3A_988, %dma_wait3A_990, %dma_wait3A_991] : memref<3x80x128xf32, #tpu.memory_space<vmem>> -> memref<1x80x128xf32, #tpu.memory_space<vmem>>
      %dma_wait3A_993 = tpu.memref_squeeze %dma_wait3A_992 : memref<1x80x128xf32, #tpu.memory_space<vmem>> -> memref<80x128xf32, #tpu.memory_space<vmem>>
      %dma_wait3A_994 = arith.constant 0 : i32
      %dma_wait3A_995 = tpu.memref_slice %arg3[%add3A_987, %dma_wait3A_994] : memref<320000x128xf32, #tpu.memory_space<hbm>> -> memref<80x128xf32, #tpu.memory_space<hbm>>
      %dma_wait3A_996 = tpu.memref_slice %arg9[%dma_wait3A_989] : memref<3x!tpu.dma_semaphore, #tpu.memory_space<semaphore_mem>> -> memref<1x!tpu.dma_semaphore, #tpu.memory_space<semaphore_mem>>
      %dma_wait3A_997 = tpu.memref_squeeze %dma_wait3A_996 : memref<1x!tpu.dma_semaphore, #tpu.memory_space<semaphore_mem>> -> memref<!tpu.dma_semaphore, #tpu.memory_space<semaphore_mem>>
      %dma_wait3A_998 = arith.constant 0 : i32
      %dma_wait3A_999 = arith.constant 0 : i32
      %dma_wait3A_1000 = tpu.memref_slice %arg7[%dma_wait3A_988, %dma_wait3A_998, %dma_wait3A_999] : memref<3x80x128xf32, #tpu.memory_space<vmem>> -> memref<1x80x128xf32, #tpu.memory_space<vmem>>
      %dma_wait3A_1001 = tpu.memref_squeeze %dma_wait3A_1000 : memref<1x80x128xf32, #tpu.memory_space<vmem>> -> memref<80x128xf32, #tpu.memory_space<vmem>>
      %dma_wait3A_1002 = arith.constant 0 : i32
      %dma_wait3A_1003 = tpu.memref_slice %arg3[%add3A_987, %dma_wait3A_1002] : memref<320000x128xf32, #tpu.memory_space<hbm>> -> memref<80x128xf32, #tpu.memory_space<hbm>>
      tpu.wait_dma2 semaphore(%dma_wait3A_997 : memref<!tpu.dma_semaphore, #tpu.memory_space<semaphore_mem>>) src(%dma_wait3A_1003 : memref<80x128xf32, #tpu.memory_space<hbm>>) dst(%dma_wait3A_1001 : memref<80x128xf32, #tpu.memory_space<vmem>>)
      %run_scoped3A_1004 = arith.constant 0 : i32
      "tpu.region"() ({
        %run_scoped3A_1073 = tpu.sem_alloc : memref<!tpu.dma_semaphore, #tpu.memory_space<semaphore_mem>>
        %dma_start3A_1074 = arith.constant 0 : i32
        %dma_start3A_1075 = arith.constant 0 : i32
        %dma_start3A_1076 = tpu.memref_slice %arg7[%run_scoped3A_1004, %dma_start3A_1074, %dma_start3A_1075] : memref<3x80x128xf32, #tpu.memory_space<vmem>> -> memref<1x80x128xf32, #tpu.memory_space<vmem>>
        %dma_start3A_1077 = tpu.memref_squeeze %dma_start3A_1076 : memref<1x80x128xf32, #tpu.memory_space<vmem>> -> memref<80x128xf32, #tpu.memory_space<vmem>>
        %dma_start3A_1078 = arith.constant 0 : i32
        %dma_start3A_1079 = tpu.memref_slice %arg6[%add3A_984, %dma_start3A_1078] : memref<125x80xi32, #tpu.memory_space<vmem>> -> memref<1x80xi32, #tpu.memory_space<vmem>>
        %dma_start3A_1080 = tpu.memref_squeeze %dma_start3A_1079 : memref<1x80xi32, #tpu.memory_space<vmem>> -> memref<80xi32, #tpu.memory_space<vmem>>
        %dma_start3A_1081 = arith.constant 0 : i32
        %dma_start3A_1082 = arith.constant 0 : i32
        %dma_start3A_1083 = tpu.memref_slice %arg5[%dma_start3A_1081, %dma_start3A_1082] : memref<10000x128xf32, #tpu.memory_space<vmem_shared>> -> memref<10000x128xf32, #tpu.memory_space<vmem_shared>>
        tpu.enqueue_indirect_dma source(%dma_start3A_1077 : memref<80x128xf32, #tpu.memory_space<vmem>>) target(%dma_start3A_1083 : memref<10000x128xf32, #tpu.memory_space<vmem_shared>>) offsets(%dma_start3A_1080 : memref<80xi32, #tpu.memory_space<vmem>>) semaphore(%run_scoped3A_1073 : memref<!tpu.dma_semaphore, #tpu.memory_space<semaphore_mem>>) {add = true}
        %dma_wait3A_1084 = arith.constant 0 : i32
        %dma_wait3A_1085 = arith.constant 0 : i32
        %dma_wait3A_1086 = tpu.memref_slice %arg7[%run_scoped3A_1004, %dma_wait3A_1084, %dma_wait3A_1085] : memref<3x80x128xf32, #tpu.memory_space<vmem>> -> memref<1x80x128xf32, #tpu.memory_space<vmem>>
        %dma_wait3A_1087 = tpu.memref_squeeze %dma_wait3A_1086 : memref<1x80x128xf32, #tpu.memory_space<vmem>> -> memref<80x128xf32, #tpu.memory_space<vmem>>
        %dma_wait3A_1088 = arith.constant 0 : i32
        %dma_wait3A_1089 = tpu.memref_slice %arg6[%add3A_984, %dma_wait3A_1088] : memref<125x80xi32, #tpu.memory_space<vmem>> -> memref<1x80xi32, #tpu.memory_space<vmem>>
        %dma_wait3A_1090 = tpu.memref_squeeze %dma_wait3A_1089 : memref<1x80xi32, #tpu.memory_space<vmem>> -> memref<80xi32, #tpu.memory_space<vmem>>
        %dma_wait3A_1091 = arith.constant 0 : i32
        %dma_wait3A_1092 = arith.constant 0 : i32
        %dma_wait3A_1093 = tpu.memref_slice %arg5[%dma_wait3A_1091, %dma_wait3A_1092] : memref<10000x128xf32, #tpu.memory_space<vmem_shared>> -> memref<10000x128xf32, #tpu.memory_space<vmem_shared>>
        tpu.wait_indirect_dma semaphore(%run_scoped3A_1073 : memref<!tpu.dma_semaphore, #tpu.memory_space<semaphore_mem>>) src(%dma_wait3A_1087 : memref<80x128xf32, #tpu.memory_space<vmem>>) dst(%dma_wait3A_1093 : memref<10000x128xf32, #tpu.memory_space<vmem_shared>>)
        tpu.yield
      }) : () -> ()
      %add3A_1005 = arith.constant 3 : i32
      %add3A_1006 = arith.addi %add3A_984, %add3A_1005 : i32
      %lt3A = arith.constant 125 : i32
      %lt3A_1007 = arith.cmpi slt, %add3A_1006, %lt3A : i32
      %convert_element_type3A_1008 = arith.extui %lt3A_1007 : i1 to i32
      %cond3A_1009 = arith.constant 0 : i32
      %cond3A_1010 = arith.cmpi ne, %convert_element_type3A_1008, %cond3A_1009 : i32
      scf.if %cond3A_1010 {
        %mul3A_1073 = arith.constant 80 : i32
        %mul3A_1074 = arith.muli %add3A_1006, %mul3A_1073 : i32
        %add3A_1075 = arith.addi %mul3A_2, %mul3A_1074 : i32
        %dma_start3A_1076 = arith.constant 0 : i32
        %dma_start3A_1077 = arith.constant 0 : i32
        %dma_start3A_1078 = arith.constant 0 : i32
        %dma_start3A_1079 = arith.constant 0 : i32
        %dma_start3A_1080 = tpu.memref_slice %arg7[%dma_start3A_1076, %dma_start3A_1078, %dma_start3A_1079] : memref<3x80x128xf32, #tpu.memory_space<vmem>> -> memref<1x80x128xf32, #tpu.memory_space<vmem>>
        %dma_start3A_1081 = tpu.memref_squeeze %dma_start3A_1080 : memref<1x80x128xf32, #tpu.memory_space<vmem>> -> memref<80x128xf32, #tpu.memory_space<vmem>>
        %dma_start3A_1082 = arith.constant 0 : i32
        %dma_start3A_1083 = tpu.memref_slice %arg3[%add3A_1075, %dma_start3A_1082] : memref<320000x128xf32, #tpu.memory_space<hbm>> -> memref<80x128xf32, #tpu.memory_space<hbm>>
        %dma_start3A_1084 = tpu.memref_slice %arg9[%dma_start3A_1077] : memref<3x!tpu.dma_semaphore, #tpu.memory_space<semaphore_mem>> -> memref<1x!tpu.dma_semaphore, #tpu.memory_space<semaphore_mem>>
        %dma_start3A_1085 = tpu.memref_squeeze %dma_start3A_1084 : memref<1x!tpu.dma_semaphore, #tpu.memory_space<semaphore_mem>> -> memref<!tpu.dma_semaphore, #tpu.memory_space<semaphore_mem>>
        %dma_start3A_1086 = arith.constant 0 : i32
        %dma_start3A_1087 = arith.constant 0 : i32
        %dma_start3A_1088 = tpu.memref_slice %arg7[%dma_start3A_1076, %dma_start3A_1086, %dma_start3A_1087] : memref<3x80x128xf32, #tpu.memory_space<vmem>> -> memref<1x80x128xf32, #tpu.memory_space<vmem>>
        %dma_start3A_1089 = tpu.memref_squeeze %dma_start3A_1088 : memref<1x80x128xf32, #tpu.memory_space<vmem>> -> memref<80x128xf32, #tpu.memory_space<vmem>>
        %dma_start3A_1090 = arith.constant 0 : i32
        %dma_start3A_1091 = tpu.memref_slice %arg3[%add3A_1075, %dma_start3A_1090] : memref<320000x128xf32, #tpu.memory_space<hbm>> -> memref<80x128xf32, #tpu.memory_space<hbm>>
        tpu.enqueue_dma source(%dma_start3A_1091 : memref<80x128xf32, #tpu.memory_space<hbm>>) target(%dma_start3A_1089 : memref<80x128xf32, #tpu.memory_space<vmem>>) target_semaphore(%dma_start3A_1085 : memref<!tpu.dma_semaphore, #tpu.memory_space<semaphore_mem>>)
      } else {
      }
      %mul3A_1011 = arith.constant 3 : i32
      %mul3A_1012 = arith.muli %add3A_980, %mul3A_1011 : i32
      %add3A_1013 = arith.constant 1 : i32
      %add3A_1014 = arith.addi %mul3A_1012, %add3A_1013 : i32
      %mul3A_1015 = arith.constant 80 : i32
      %mul3A_1016 = arith.muli %add3A_1014, %mul3A_1015 : i32
      %add3A_1017 = arith.addi %mul3A_2, %mul3A_1016 : i32
      %dma_wait3A_1018 = arith.constant 1 : i32
      %dma_wait3A_1019 = arith.constant 1 : i32
      %dma_wait3A_1020 = arith.constant 0 : i32
      %dma_wait3A_1021 = arith.constant 0 : i32
      %dma_wait3A_1022 = tpu.memref_slice %arg7[%dma_wait3A_1018, %dma_wait3A_1020, %dma_wait3A_1021] : memref<3x80x128xf32, #tpu.memory_space<vmem>> -> memref<1x80x128xf32, #tpu.memory_space<vmem>>
      %dma_wait3A_1023 = tpu.memref_squeeze %dma_wait3A_1022 : memref<1x80x128xf32, #tpu.memory_space<vmem>> -> memref<80x128xf32, #tpu.memory_space<vmem>>
      %dma_wait3A_1024 = arith.constant 0 : i32
      %dma_wait3A_1025 = tpu.memref_slice %arg3[%add3A_1017, %dma_wait3A_1024] : memref<320000x128xf32, #tpu.memory_space<hbm>> -> memref<80x128xf32, #tpu.memory_space<hbm>>
      %dma_wait3A_1026 = tpu.memref_slice %arg9[%dma_wait3A_1019] : memref<3x!tpu.dma_semaphore, #tpu.memory_space<semaphore_mem>> -> memref<1x!tpu.dma_semaphore, #tpu.memory_space<semaphore_mem>>
      %dma_wait3A_1027 = tpu.memref_squeeze %dma_wait3A_1026 : memref<1x!tpu.dma_semaphore, #tpu.memory_space<semaphore_mem>> -> memref<!tpu.dma_semaphore, #tpu.memory_space<semaphore_mem>>
      %dma_wait3A_1028 = arith.constant 0 : i32
      %dma_wait3A_1029 = arith.constant 0 : i32
      %dma_wait3A_1030 = tpu.memref_slice %arg7[%dma_wait3A_1018, %dma_wait3A_1028, %dma_wait3A_1029] : memref<3x80x128xf32, #tpu.memory_space<vmem>> -> memref<1x80x128xf32, #tpu.memory_space<vmem>>
      %dma_wait3A_1031 = tpu.memref_squeeze %dma_wait3A_1030 : memref<1x80x128xf32, #tpu.memory_space<vmem>> -> memref<80x128xf32, #tpu.memory_space<vmem>>
      %dma_wait3A_1032 = arith.constant 0 : i32
      %dma_wait3A_1033 = tpu.memref_slice %arg3[%add3A_1017, %dma_wait3A_1032] : memref<320000x128xf32, #tpu.memory_space<hbm>> -> memref<80x128xf32, #tpu.memory_space<hbm>>
      tpu.wait_dma2 semaphore(%dma_wait3A_1027 : memref<!tpu.dma_semaphore, #tpu.memory_space<semaphore_mem>>) src(%dma_wait3A_1033 : memref<80x128xf32, #tpu.memory_space<hbm>>) dst(%dma_wait3A_1031 : memref<80x128xf32, #tpu.memory_space<vmem>>)
      %run_scoped3A_1034 = arith.constant 1 : i32
      "tpu.region"() ({
        %run_scoped3A_1073 = tpu.sem_alloc : memref<!tpu.dma_semaphore, #tpu.memory_space<semaphore_mem>>
        %dma_start3A_1074 = arith.constant 0 : i32
        %dma_start3A_1075 = arith.constant 0 : i32
        %dma_start3A_1076 = tpu.memref_slice %arg7[%run_scoped3A_1034, %dma_start3A_1074, %dma_start3A_1075] : memref<3x80x128xf32, #tpu.memory_space<vmem>> -> memref<1x80x128xf32, #tpu.memory_space<vmem>>
        %dma_start3A_1077 = tpu.memref_squeeze %dma_start3A_1076 : memref<1x80x128xf32, #tpu.memory_space<vmem>> -> memref<80x128xf32, #tpu.memory_space<vmem>>
        %dma_start3A_1078 = arith.constant 0 : i32
        %dma_start3A_1079 = tpu.memref_slice %arg6[%add3A_1014, %dma_start3A_1078] : memref<125x80xi32, #tpu.memory_space<vmem>> -> memref<1x80xi32, #tpu.memory_space<vmem>>
        %dma_start3A_1080 = tpu.memref_squeeze %dma_start3A_1079 : memref<1x80xi32, #tpu.memory_space<vmem>> -> memref<80xi32, #tpu.memory_space<vmem>>
        %dma_start3A_1081 = arith.constant 0 : i32
        %dma_start3A_1082 = arith.constant 0 : i32
        %dma_start3A_1083 = tpu.memref_slice %arg5[%dma_start3A_1081, %dma_start3A_1082] : memref<10000x128xf32, #tpu.memory_space<vmem_shared>> -> memref<10000x128xf32, #tpu.memory_space<vmem_shared>>
        tpu.enqueue_indirect_dma source(%dma_start3A_1077 : memref<80x128xf32, #tpu.memory_space<vmem>>) target(%dma_start3A_1083 : memref<10000x128xf32, #tpu.memory_space<vmem_shared>>) offsets(%dma_start3A_1080 : memref<80xi32, #tpu.memory_space<vmem>>) semaphore(%run_scoped3A_1073 : memref<!tpu.dma_semaphore, #tpu.memory_space<semaphore_mem>>) {add = true}
        %dma_wait3A_1084 = arith.constant 0 : i32
        %dma_wait3A_1085 = arith.constant 0 : i32
        %dma_wait3A_1086 = tpu.memref_slice %arg7[%run_scoped3A_1034, %dma_wait3A_1084, %dma_wait3A_1085] : memref<3x80x128xf32, #tpu.memory_space<vmem>> -> memref<1x80x128xf32, #tpu.memory_space<vmem>>
        %dma_wait3A_1087 = tpu.memref_squeeze %dma_wait3A_1086 : memref<1x80x128xf32, #tpu.memory_space<vmem>> -> memref<80x128xf32, #tpu.memory_space<vmem>>
        %dma_wait3A_1088 = arith.constant 0 : i32
        %dma_wait3A_1089 = tpu.memref_slice %arg6[%add3A_1014, %dma_wait3A_1088] : memref<125x80xi32, #tpu.memory_space<vmem>> -> memref<1x80xi32, #tpu.memory_space<vmem>>
        %dma_wait3A_1090 = tpu.memref_squeeze %dma_wait3A_1089 : memref<1x80xi32, #tpu.memory_space<vmem>> -> memref<80xi32, #tpu.memory_space<vmem>>
        %dma_wait3A_1091 = arith.constant 0 : i32
        %dma_wait3A_1092 = arith.constant 0 : i32
        %dma_wait3A_1093 = tpu.memref_slice %arg5[%dma_wait3A_1091, %dma_wait3A_1092] : memref<10000x128xf32, #tpu.memory_space<vmem_shared>> -> memref<10000x128xf32, #tpu.memory_space<vmem_shared>>
        tpu.wait_indirect_dma semaphore(%run_scoped3A_1073 : memref<!tpu.dma_semaphore, #tpu.memory_space<semaphore_mem>>) src(%dma_wait3A_1087 : memref<80x128xf32, #tpu.memory_space<vmem>>) dst(%dma_wait3A_1093 : memref<10000x128xf32, #tpu.memory_space<vmem_shared>>)
        tpu.yield
      }) : () -> ()
      %add3A_1035 = arith.constant 3 : i32
      %add3A_1036 = arith.addi %add3A_1014, %add3A_1035 : i32
      %lt3A_1037 = arith.constant 125 : i32
      %lt3A_1038 = arith.cmpi slt, %add3A_1036, %lt3A_1037 : i32
      %convert_element_type3A_1039 = arith.extui %lt3A_1038 : i1 to i32
      %cond3A_1040 = arith.constant 0 : i32
      %cond3A_1041 = arith.cmpi ne, %convert_element_type3A_1039, %cond3A_1040 : i32
      scf.if %cond3A_1041 {
        %mul3A_1073 = arith.constant 80 : i32
        %mul3A_1074 = arith.muli %add3A_1036, %mul3A_1073 : i32
        %add3A_1075 = arith.addi %mul3A_2, %mul3A_1074 : i32
        %dma_start3A_1076 = arith.constant 1 : i32
        %dma_start3A_1077 = arith.constant 1 : i32
        %dma_start3A_1078 = arith.constant 0 : i32
        %dma_start3A_1079 = arith.constant 0 : i32
        %dma_start3A_1080 = tpu.memref_slice %arg7[%dma_start3A_1076, %dma_start3A_1078, %dma_start3A_1079] : memref<3x80x128xf32, #tpu.memory_space<vmem>> -> memref<1x80x128xf32, #tpu.memory_space<vmem>>
        %dma_start3A_1081 = tpu.memref_squeeze %dma_start3A_1080 : memref<1x80x128xf32, #tpu.memory_space<vmem>> -> memref<80x128xf32, #tpu.memory_space<vmem>>
        %dma_start3A_1082 = arith.constant 0 : i32
        %dma_start3A_1083 = tpu.memref_slice %arg3[%add3A_1075, %dma_start3A_1082] : memref<320000x128xf32, #tpu.memory_space<hbm>> -> memref<80x128xf32, #tpu.memory_space<hbm>>
        %dma_start3A_1084 = tpu.memref_slice %arg9[%dma_start3A_1077] : memref<3x!tpu.dma_semaphore, #tpu.memory_space<semaphore_mem>> -> memref<1x!tpu.dma_semaphore, #tpu.memory_space<semaphore_mem>>
        %dma_start3A_1085 = tpu.memref_squeeze %dma_start3A_1084 : memref<1x!tpu.dma_semaphore, #tpu.memory_space<semaphore_mem>> -> memref<!tpu.dma_semaphore, #tpu.memory_space<semaphore_mem>>
        %dma_start3A_1086 = arith.constant 0 : i32
        %dma_start3A_1087 = arith.constant 0 : i32
        %dma_start3A_1088 = tpu.memref_slice %arg7[%dma_start3A_1076, %dma_start3A_1086, %dma_start3A_1087] : memref<3x80x128xf32, #tpu.memory_space<vmem>> -> memref<1x80x128xf32, #tpu.memory_space<vmem>>
        %dma_start3A_1089 = tpu.memref_squeeze %dma_start3A_1088 : memref<1x80x128xf32, #tpu.memory_space<vmem>> -> memref<80x128xf32, #tpu.memory_space<vmem>>
        %dma_start3A_1090 = arith.constant 0 : i32
        %dma_start3A_1091 = tpu.memref_slice %arg3[%add3A_1075, %dma_start3A_1090] : memref<320000x128xf32, #tpu.memory_space<hbm>> -> memref<80x128xf32, #tpu.memory_space<hbm>>
        tpu.enqueue_dma source(%dma_start3A_1091 : memref<80x128xf32, #tpu.memory_space<hbm>>) target(%dma_start3A_1089 : memref<80x128xf32, #tpu.memory_space<vmem>>) target_semaphore(%dma_start3A_1085 : memref<!tpu.dma_semaphore, #tpu.memory_space<semaphore_mem>>)
      } else {
      }
      %mul3A_1042 = arith.constant 3 : i32
      %mul3A_1043 = arith.muli %add3A_980, %mul3A_1042 : i32
      %add3A_1044 = arith.constant 2 : i32
      %add3A_1045 = arith.addi %mul3A_1043, %add3A_1044 : i32
      %mul3A_1046 = arith.constant 80 : i32
      %mul3A_1047 = arith.muli %add3A_1045, %mul3A_1046 : i32
      %add3A_1048 = arith.addi %mul3A_2, %mul3A_1047 : i32
      %dma_wait3A_1049 = arith.constant 2 : i32
      %dma_wait3A_1050 = arith.constant 2 : i32
      %dma_wait3A_1051 = arith.constant 0 : i32
      %dma_wait3A_1052 = arith.constant 0 : i32
      %dma_wait3A_1053 = tpu.memref_slice %arg7[%dma_wait3A_1049, %dma_wait3A_1051, %dma_wait3A_1052] : memref<3x80x128xf32, #tpu.memory_space<vmem>> -> memref<1x80x128xf32, #tpu.memory_space<vmem>>
      %dma_wait3A_1054 = tpu.memref_squeeze %dma_wait3A_1053 : memref<1x80x128xf32, #tpu.memory_space<vmem>> -> memref<80x128xf32, #tpu.memory_space<vmem>>
      %dma_wait3A_1055 = arith.constant 0 : i32
      %dma_wait3A_1056 = tpu.memref_slice %arg3[%add3A_1048, %dma_wait3A_1055] : memref<320000x128xf32, #tpu.memory_space<hbm>> -> memref<80x128xf32, #tpu.memory_space<hbm>>
      %dma_wait3A_1057 = tpu.memref_slice %arg9[%dma_wait3A_1050] : memref<3x!tpu.dma_semaphore, #tpu.memory_space<semaphore_mem>> -> memref<1x!tpu.dma_semaphore, #tpu.memory_space<semaphore_mem>>
      %dma_wait3A_1058 = tpu.memref_squeeze %dma_wait3A_1057 : memref<1x!tpu.dma_semaphore, #tpu.memory_space<semaphore_mem>> -> memref<!tpu.dma_semaphore, #tpu.memory_space<semaphore_mem>>
      %dma_wait3A_1059 = arith.constant 0 : i32
      %dma_wait3A_1060 = arith.constant 0 : i32
      %dma_wait3A_1061 = tpu.memref_slice %arg7[%dma_wait3A_1049, %dma_wait3A_1059, %dma_wait3A_1060] : memref<3x80x128xf32, #tpu.memory_space<vmem>> -> memref<1x80x128xf32, #tpu.memory_space<vmem>>
      %dma_wait3A_1062 = tpu.memref_squeeze %dma_wait3A_1061 : memref<1x80x128xf32, #tpu.memory_space<vmem>> -> memref<80x128xf32, #tpu.memory_space<vmem>>
      %dma_wait3A_1063 = arith.constant 0 : i32
      %dma_wait3A_1064 = tpu.memref_slice %arg3[%add3A_1048, %dma_wait3A_1063] : memref<320000x128xf32, #tpu.memory_space<hbm>> -> memref<80x128xf32, #tpu.memory_space<hbm>>
      tpu.wait_dma2 semaphore(%dma_wait3A_1058 : memref<!tpu.dma_semaphore, #tpu.memory_space<semaphore_mem>>) src(%dma_wait3A_1064 : memref<80x128xf32, #tpu.memory_space<hbm>>) dst(%dma_wait3A_1062 : memref<80x128xf32, #tpu.memory_space<vmem>>)
      %run_scoped3A_1065 = arith.constant 2 : i32
      "tpu.region"() ({
        %run_scoped3A_1073 = tpu.sem_alloc : memref<!tpu.dma_semaphore, #tpu.memory_space<semaphore_mem>>
        %dma_start3A_1074 = arith.constant 0 : i32
        %dma_start3A_1075 = arith.constant 0 : i32
        %dma_start3A_1076 = tpu.memref_slice %arg7[%run_scoped3A_1065, %dma_start3A_1074, %dma_start3A_1075] : memref<3x80x128xf32, #tpu.memory_space<vmem>> -> memref<1x80x128xf32, #tpu.memory_space<vmem>>
        %dma_start3A_1077 = tpu.memref_squeeze %dma_start3A_1076 : memref<1x80x128xf32, #tpu.memory_space<vmem>> -> memref<80x128xf32, #tpu.memory_space<vmem>>
        %dma_start3A_1078 = arith.constant 0 : i32
        %dma_start3A_1079 = tpu.memref_slice %arg6[%add3A_1045, %dma_start3A_1078] : memref<125x80xi32, #tpu.memory_space<vmem>> -> memref<1x80xi32, #tpu.memory_space<vmem>>
        %dma_start3A_1080 = tpu.memref_squeeze %dma_start3A_1079 : memref<1x80xi32, #tpu.memory_space<vmem>> -> memref<80xi32, #tpu.memory_space<vmem>>
        %dma_start3A_1081 = arith.constant 0 : i32
        %dma_start3A_1082 = arith.constant 0 : i32
        %dma_start3A_1083 = tpu.memref_slice %arg5[%dma_start3A_1081, %dma_start3A_1082] : memref<10000x128xf32, #tpu.memory_space<vmem_shared>> -> memref<10000x128xf32, #tpu.memory_space<vmem_shared>>
        tpu.enqueue_indirect_dma source(%dma_start3A_1077 : memref<80x128xf32, #tpu.memory_space<vmem>>) target(%dma_start3A_1083 : memref<10000x128xf32, #tpu.memory_space<vmem_shared>>) offsets(%dma_start3A_1080 : memref<80xi32, #tpu.memory_space<vmem>>) semaphore(%run_scoped3A_1073 : memref<!tpu.dma_semaphore, #tpu.memory_space<semaphore_mem>>) {add = true}
        %dma_wait3A_1084 = arith.constant 0 : i32
        %dma_wait3A_1085 = arith.constant 0 : i32
        %dma_wait3A_1086 = tpu.memref_slice %arg7[%run_scoped3A_1065, %dma_wait3A_1084, %dma_wait3A_1085] : memref<3x80x128xf32, #tpu.memory_space<vmem>> -> memref<1x80x128xf32, #tpu.memory_space<vmem>>
        %dma_wait3A_1087 = tpu.memref_squeeze %dma_wait3A_1086 : memref<1x80x128xf32, #tpu.memory_space<vmem>> -> memref<80x128xf32, #tpu.memory_space<vmem>>
        %dma_wait3A_1088 = arith.constant 0 : i32
        %dma_wait3A_1089 = tpu.memref_slice %arg6[%add3A_1045, %dma_wait3A_1088] : memref<125x80xi32, #tpu.memory_space<vmem>> -> memref<1x80xi32, #tpu.memory_space<vmem>>
        %dma_wait3A_1090 = tpu.memref_squeeze %dma_wait3A_1089 : memref<1x80xi32, #tpu.memory_space<vmem>> -> memref<80xi32, #tpu.memory_space<vmem>>
        %dma_wait3A_1091 = arith.constant 0 : i32
        %dma_wait3A_1092 = arith.constant 0 : i32
        %dma_wait3A_1093 = tpu.memref_slice %arg5[%dma_wait3A_1091, %dma_wait3A_1092] : memref<10000x128xf32, #tpu.memory_space<vmem_shared>> -> memref<10000x128xf32, #tpu.memory_space<vmem_shared>>
        tpu.wait_indirect_dma semaphore(%run_scoped3A_1073 : memref<!tpu.dma_semaphore, #tpu.memory_space<semaphore_mem>>) src(%dma_wait3A_1087 : memref<80x128xf32, #tpu.memory_space<vmem>>) dst(%dma_wait3A_1093 : memref<10000x128xf32, #tpu.memory_space<vmem_shared>>)
        tpu.yield
      }) : () -> ()
      %add3A_1066 = arith.constant 3 : i32
      %add3A_1067 = arith.addi %add3A_1045, %add3A_1066 : i32
      %lt3A_1068 = arith.constant 125 : i32
      %lt3A_1069 = arith.cmpi slt, %add3A_1067, %lt3A_1068 : i32
      %convert_element_type3A_1070 = arith.extui %lt3A_1069 : i1 to i32
      %cond3A_1071 = arith.constant 0 : i32
      %cond3A_1072 = arith.cmpi ne, %convert_element_type3A_1070, %cond3A_1071 : i32
      scf.if %cond3A_1072 {
        %mul3A_1073 = arith.constant 80 : i32
        %mul3A_1074 = arith.muli %add3A_1067, %mul3A_1073 : i32
        %add3A_1075 = arith.addi %mul3A_2, %mul3A_1074 : i32
        %dma_start3A_1076 = arith.constant 2 : i32
        %dma_start3A_1077 = arith.constant 2 : i32
        %dma_start3A_1078 = arith.constant 0 : i32
        %dma_start3A_1079 = arith.constant 0 : i32
        %dma_start3A_1080 = tpu.memref_slice %arg7[%dma_start3A_1076, %dma_start3A_1078, %dma_start3A_1079] : memref<3x80x128xf32, #tpu.memory_space<vmem>> -> memref<1x80x128xf32, #tpu.memory_space<vmem>>
        %dma_start3A_1081 = tpu.memref_squeeze %dma_start3A_1080 : memref<1x80x128xf32, #tpu.memory_space<vmem>> -> memref<80x128xf32, #tpu.memory_space<vmem>>
        %dma_start3A_1082 = arith.constant 0 : i32
        %dma_start3A_1083 = tpu.memref_slice %arg3[%add3A_1075, %dma_start3A_1082] : memref<320000x128xf32, #tpu.memory_space<hbm>> -> memref<80x128xf32, #tpu.memory_space<hbm>>
        %dma_start3A_1084 = tpu.memref_slice %arg9[%dma_start3A_1077] : memref<3x!tpu.dma_semaphore, #tpu.memory_space<semaphore_mem>> -> memref<1x!tpu.dma_semaphore, #tpu.memory_space<semaphore_mem>>
        %dma_start3A_1085 = tpu.memref_squeeze %dma_start3A_1084 : memref<1x!tpu.dma_semaphore, #tpu.memory_space<semaphore_mem>> -> memref<!tpu.dma_semaphore, #tpu.memory_space<semaphore_mem>>
        %dma_start3A_1086 = arith.constant 0 : i32
        %dma_start3A_1087 = arith.constant 0 : i32
        %dma_start3A_1088 = tpu.memref_slice %arg7[%dma_start3A_1076, %dma_start3A_1086, %dma_start3A_1087] : memref<3x80x128xf32, #tpu.memory_space<vmem>> -> memref<1x80x128xf32, #tpu.memory_space<vmem>>
        %dma_start3A_1089 = tpu.memref_squeeze %dma_start3A_1088 : memref<1x80x128xf32, #tpu.memory_space<vmem>> -> memref<80x128xf32, #tpu.memory_space<vmem>>
        %dma_start3A_1090 = arith.constant 0 : i32
        %dma_start3A_1091 = tpu.memref_slice %arg3[%add3A_1075, %dma_start3A_1090] : memref<320000x128xf32, #tpu.memory_space<hbm>> -> memref<80x128xf32, #tpu.memory_space<hbm>>
        tpu.enqueue_dma source(%dma_start3A_1091 : memref<80x128xf32, #tpu.memory_space<hbm>>) target(%dma_start3A_1089 : memref<80x128xf32, #tpu.memory_space<vmem>>) target_semaphore(%dma_start3A_1085 : memref<!tpu.dma_semaphore, #tpu.memory_space<semaphore_mem>>)
      } else {
      }
    }
    %scan3A_930 = arith.constant 41 : i32
    %add3A_931 = arith.constant 9840 : i32
    %add3A_932 = arith.addi %mul3A_2, %add3A_931 : i32
    %dma_wait3A_933 = arith.constant 0 : i32
    %dma_wait3A_934 = arith.constant 0 : i32
    %dma_wait3A_935 = arith.constant 0 : i32
    %dma_wait3A_936 = arith.constant 0 : i32
    %dma_wait3A_937 = tpu.memref_slice %arg7[%dma_wait3A_933, %dma_wait3A_935, %dma_wait3A_936] : memref<3x80x128xf32, #tpu.memory_space<vmem>> -> memref<1x80x128xf32, #tpu.memory_space<vmem>>
    %dma_wait3A_938 = tpu.memref_squeeze %dma_wait3A_937 : memref<1x80x128xf32, #tpu.memory_space<vmem>> -> memref<80x128xf32, #tpu.memory_space<vmem>>
    %dma_wait3A_939 = arith.constant 0 : i32
    %dma_wait3A_940 = tpu.memref_slice %arg3[%add3A_932, %dma_wait3A_939] : memref<320000x128xf32, #tpu.memory_space<hbm>> -> memref<80x128xf32, #tpu.memory_space<hbm>>
    %dma_wait3A_941 = tpu.memref_slice %arg9[%dma_wait3A_934] : memref<3x!tpu.dma_semaphore, #tpu.memory_space<semaphore_mem>> -> memref<1x!tpu.dma_semaphore, #tpu.memory_space<semaphore_mem>>
    %dma_wait3A_942 = tpu.memref_squeeze %dma_wait3A_941 : memref<1x!tpu.dma_semaphore, #tpu.memory_space<semaphore_mem>> -> memref<!tpu.dma_semaphore, #tpu.memory_space<semaphore_mem>>
    %dma_wait3A_943 = arith.constant 0 : i32
    %dma_wait3A_944 = arith.constant 0 : i32
    %dma_wait3A_945 = tpu.memref_slice %arg7[%dma_wait3A_933, %dma_wait3A_943, %dma_wait3A_944] : memref<3x80x128xf32, #tpu.memory_space<vmem>> -> memref<1x80x128xf32, #tpu.memory_space<vmem>>
    %dma_wait3A_946 = tpu.memref_squeeze %dma_wait3A_945 : memref<1x80x128xf32, #tpu.memory_space<vmem>> -> memref<80x128xf32, #tpu.memory_space<vmem>>
    %dma_wait3A_947 = arith.constant 0 : i32
    %dma_wait3A_948 = tpu.memref_slice %arg3[%add3A_932, %dma_wait3A_947] : memref<320000x128xf32, #tpu.memory_space<hbm>> -> memref<80x128xf32, #tpu.memory_space<hbm>>
    tpu.wait_dma2 semaphore(%dma_wait3A_942 : memref<!tpu.dma_semaphore, #tpu.memory_space<semaphore_mem>>) src(%dma_wait3A_948 : memref<80x128xf32, #tpu.memory_space<hbm>>) dst(%dma_wait3A_946 : memref<80x128xf32, #tpu.memory_space<vmem>>)
    %run_scoped3A = arith.constant 0 : i32
    %run_scoped3A_949 = arith.constant 123 : i32
    "tpu.region"() ({
      %run_scoped3A_976 = tpu.sem_alloc : memref<!tpu.dma_semaphore, #tpu.memory_space<semaphore_mem>>
      %dma_start3A_977 = arith.constant 0 : i32
      %dma_start3A_978 = arith.constant 0 : i32
      %dma_start3A_979 = tpu.memref_slice %arg7[%run_scoped3A, %dma_start3A_977, %dma_start3A_978] : memref<3x80x128xf32, #tpu.memory_space<vmem>> -> memref<1x80x128xf32, #tpu.memory_space<vmem>>
      %dma_start3A_980 = tpu.memref_squeeze %dma_start3A_979 : memref<1x80x128xf32, #tpu.memory_space<vmem>> -> memref<80x128xf32, #tpu.memory_space<vmem>>
      %dma_start3A_981 = arith.constant 0 : i32
      %dma_start3A_982 = tpu.memref_slice %arg6[%run_scoped3A_949, %dma_start3A_981] : memref<125x80xi32, #tpu.memory_space<vmem>> -> memref<1x80xi32, #tpu.memory_space<vmem>>
      %dma_start3A_983 = tpu.memref_squeeze %dma_start3A_982 : memref<1x80xi32, #tpu.memory_space<vmem>> -> memref<80xi32, #tpu.memory_space<vmem>>
      %dma_start3A_984 = arith.constant 0 : i32
      %dma_start3A_985 = arith.constant 0 : i32
      %dma_start3A_986 = tpu.memref_slice %arg5[%dma_start3A_984, %dma_start3A_985] : memref<10000x128xf32, #tpu.memory_space<vmem_shared>> -> memref<10000x128xf32, #tpu.memory_space<vmem_shared>>
      tpu.enqueue_indirect_dma source(%dma_start3A_980 : memref<80x128xf32, #tpu.memory_space<vmem>>) target(%dma_start3A_986 : memref<10000x128xf32, #tpu.memory_space<vmem_shared>>) offsets(%dma_start3A_983 : memref<80xi32, #tpu.memory_space<vmem>>) semaphore(%run_scoped3A_976 : memref<!tpu.dma_semaphore, #tpu.memory_space<semaphore_mem>>) {add = true}
      %dma_wait3A_987 = arith.constant 0 : i32
      %dma_wait3A_988 = arith.constant 0 : i32
      %dma_wait3A_989 = tpu.memref_slice %arg7[%run_scoped3A, %dma_wait3A_987, %dma_wait3A_988] : memref<3x80x128xf32, #tpu.memory_space<vmem>> -> memref<1x80x128xf32, #tpu.memory_space<vmem>>
      %dma_wait3A_990 = tpu.memref_squeeze %dma_wait3A_989 : memref<1x80x128xf32, #tpu.memory_space<vmem>> -> memref<80x128xf32, #tpu.memory_space<vmem>>
      %dma_wait3A_991 = arith.constant 0 : i32
      %dma_wait3A_992 = tpu.memref_slice %arg6[%run_scoped3A_949, %dma_wait3A_991] : memref<125x80xi32, #tpu.memory_space<vmem>> -> memref<1x80xi32, #tpu.memory_space<vmem>>
      %dma_wait3A_993 = tpu.memref_squeeze %dma_wait3A_992 : memref<1x80xi32, #tpu.memory_space<vmem>> -> memref<80xi32, #tpu.memory_space<vmem>>
      %dma_wait3A_994 = arith.constant 0 : i32
      %dma_wait3A_995 = arith.constant 0 : i32
      %dma_wait3A_996 = tpu.memref_slice %arg5[%dma_wait3A_994, %dma_wait3A_995] : memref<10000x128xf32, #tpu.memory_space<vmem_shared>> -> memref<10000x128xf32, #tpu.memory_space<vmem_shared>>
      tpu.wait_indirect_dma semaphore(%run_scoped3A_976 : memref<!tpu.dma_semaphore, #tpu.memory_space<semaphore_mem>>) src(%dma_wait3A_990 : memref<80x128xf32, #tpu.memory_space<vmem>>) dst(%dma_wait3A_996 : memref<10000x128xf32, #tpu.memory_space<vmem_shared>>)
      tpu.yield
    }) : () -> ()
    %add3A_950 = arith.constant 9920 : i32
    %add3A_951 = arith.addi %mul3A_2, %add3A_950 : i32
    %dma_wait3A_952 = arith.constant 1 : i32
    %dma_wait3A_953 = arith.constant 1 : i32
    %dma_wait3A_954 = arith.constant 0 : i32
    %dma_wait3A_955 = arith.constant 0 : i32
    %dma_wait3A_956 = tpu.memref_slice %arg7[%dma_wait3A_952, %dma_wait3A_954, %dma_wait3A_955] : memref<3x80x128xf32, #tpu.memory_space<vmem>> -> memref<1x80x128xf32, #tpu.memory_space<vmem>>
    %dma_wait3A_957 = tpu.memref_squeeze %dma_wait3A_956 : memref<1x80x128xf32, #tpu.memory_space<vmem>> -> memref<80x128xf32, #tpu.memory_space<vmem>>
    %dma_wait3A_958 = arith.constant 0 : i32
    %dma_wait3A_959 = tpu.memref_slice %arg3[%add3A_951, %dma_wait3A_958] : memref<320000x128xf32, #tpu.memory_space<hbm>> -> memref<80x128xf32, #tpu.memory_space<hbm>>
    %dma_wait3A_960 = tpu.memref_slice %arg9[%dma_wait3A_953] : memref<3x!tpu.dma_semaphore, #tpu.memory_space<semaphore_mem>> -> memref<1x!tpu.dma_semaphore, #tpu.memory_space<semaphore_mem>>
    %dma_wait3A_961 = tpu.memref_squeeze %dma_wait3A_960 : memref<1x!tpu.dma_semaphore, #tpu.memory_space<semaphore_mem>> -> memref<!tpu.dma_semaphore, #tpu.memory_space<semaphore_mem>>
    %dma_wait3A_962 = arith.constant 0 : i32
    %dma_wait3A_963 = arith.constant 0 : i32
    %dma_wait3A_964 = tpu.memref_slice %arg7[%dma_wait3A_952, %dma_wait3A_962, %dma_wait3A_963] : memref<3x80x128xf32, #tpu.memory_space<vmem>> -> memref<1x80x128xf32, #tpu.memory_space<vmem>>
    %dma_wait3A_965 = tpu.memref_squeeze %dma_wait3A_964 : memref<1x80x128xf32, #tpu.memory_space<vmem>> -> memref<80x128xf32, #tpu.memory_space<vmem>>
    %dma_wait3A_966 = arith.constant 0 : i32
    %dma_wait3A_967 = tpu.memref_slice %arg3[%add3A_951, %dma_wait3A_966] : memref<320000x128xf32, #tpu.memory_space<hbm>> -> memref<80x128xf32, #tpu.memory_space<hbm>>
    tpu.wait_dma2 semaphore(%dma_wait3A_961 : memref<!tpu.dma_semaphore, #tpu.memory_space<semaphore_mem>>) src(%dma_wait3A_967 : memref<80x128xf32, #tpu.memory_space<hbm>>) dst(%dma_wait3A_965 : memref<80x128xf32, #tpu.memory_space<vmem>>)
    %run_scoped3A_968 = arith.constant 1 : i32
    %run_scoped3A_969 = arith.constant 124 : i32
    "tpu.region"() ({
      %run_scoped3A_976 = tpu.sem_alloc : memref<!tpu.dma_semaphore, #tpu.memory_space<semaphore_mem>>
      %dma_start3A_977 = arith.constant 0 : i32
      %dma_start3A_978 = arith.constant 0 : i32
      %dma_start3A_979 = tpu.memref_slice %arg7[%run_scoped3A_968, %dma_start3A_977, %dma_start3A_978] : memref<3x80x128xf32, #tpu.memory_space<vmem>> -> memref<1x80x128xf32, #tpu.memory_space<vmem>>
      %dma_start3A_980 = tpu.memref_squeeze %dma_start3A_979 : memref<1x80x128xf32, #tpu.memory_space<vmem>> -> memref<80x128xf32, #tpu.memory_space<vmem>>
      %dma_start3A_981 = arith.constant 0 : i32
      %dma_start3A_982 = tpu.memref_slice %arg6[%run_scoped3A_969, %dma_start3A_981] : memref<125x80xi32, #tpu.memory_space<vmem>> -> memref<1x80xi32, #tpu.memory_space<vmem>>
      %dma_start3A_983 = tpu.memref_squeeze %dma_start3A_982 : memref<1x80xi32, #tpu.memory_space<vmem>> -> memref<80xi32, #tpu.memory_space<vmem>>
      %dma_start3A_984 = arith.constant 0 : i32
      %dma_start3A_985 = arith.constant 0 : i32
      %dma_start3A_986 = tpu.memref_slice %arg5[%dma_start3A_984, %dma_start3A_985] : memref<10000x128xf32, #tpu.memory_space<vmem_shared>> -> memref<10000x128xf32, #tpu.memory_space<vmem_shared>>
      tpu.enqueue_indirect_dma source(%dma_start3A_980 : memref<80x128xf32, #tpu.memory_space<vmem>>) target(%dma_start3A_986 : memref<10000x128xf32, #tpu.memory_space<vmem_shared>>) offsets(%dma_start3A_983 : memref<80xi32, #tpu.memory_space<vmem>>) semaphore(%run_scoped3A_976 : memref<!tpu.dma_semaphore, #tpu.memory_space<semaphore_mem>>) {add = true}
      %dma_wait3A_987 = arith.constant 0 : i32
      %dma_wait3A_988 = arith.constant 0 : i32
      %dma_wait3A_989 = tpu.memref_slice %arg7[%run_scoped3A_968, %dma_wait3A_987, %dma_wait3A_988] : memref<3x80x128xf32, #tpu.memory_space<vmem>> -> memref<1x80x128xf32, #tpu.memory_space<vmem>>
      %dma_wait3A_990 = tpu.memref_squeeze %dma_wait3A_989 : memref<1x80x128xf32, #tpu.memory_space<vmem>> -> memref<80x128xf32, #tpu.memory_space<vmem>>
      %dma_wait3A_991 = arith.constant 0 : i32
      %dma_wait3A_992 = tpu.memref_slice %arg6[%run_scoped3A_969, %dma_wait3A_991] : memref<125x80xi32, #tpu.memory_space<vmem>> -> memref<1x80xi32, #tpu.memory_space<vmem>>
      %dma_wait3A_993 = tpu.memref_squeeze %dma_wait3A_992 : memref<1x80xi32, #tpu.memory_space<vmem>> -> memref<80xi32, #tpu.memory_space<vmem>>
      %dma_wait3A_994 = arith.constant 0 : i32
      %dma_wait3A_995 = arith.constant 0 : i32
      %dma_wait3A_996 = tpu.memref_slice %arg5[%dma_wait3A_994, %dma_wait3A_995] : memref<10000x128xf32, #tpu.memory_space<vmem_shared>> -> memref<10000x128xf32, #tpu.memory_space<vmem_shared>>
      tpu.wait_indirect_dma semaphore(%run_scoped3A_976 : memref<!tpu.dma_semaphore, #tpu.memory_space<semaphore_mem>>) src(%dma_wait3A_990 : memref<80x128xf32, #tpu.memory_space<vmem>>) dst(%dma_wait3A_996 : memref<10000x128xf32, #tpu.memory_space<vmem_shared>>)
      tpu.yield
    }) : () -> ()
    %barrier3A_970 = arith.constant 0 : index
    tpu.barrier barrier_id(%barrier3A_970)
    "tpu.region"() ({
      %run_scoped3A_976 = tpu.sem_alloc : memref<!tpu.dma_semaphore, #tpu.memory_space<semaphore_mem>>
      %dma_start3A_977 = arith.constant 0 : i32
      %dma_start3A_978 = tpu.memref_slice %arg4[%arg0, %mul3A_834, %dma_start3A_977] : memref<2x10000x128xf32, #tpu.memory_space<hbm>> -> memref<1x624x128xf32, #tpu.memory_space<hbm>>
      %dma_start3A_979 = tpu.memref_squeeze %dma_start3A_978 : memref<1x624x128xf32, #tpu.memory_space<hbm>> -> memref<624x128xf32, #tpu.memory_space<hbm>>
      %dma_start3A_980 = arith.constant 0 : i32
      %dma_start3A_981 = tpu.memref_slice %arg5[%mul3A_834, %dma_start3A_980] : memref<10000x128xf32, #tpu.memory_space<vmem_shared>> -> memref<624x128xf32, #tpu.memory_space<vmem_shared>>
      tpu.enqueue_dma source(%dma_start3A_981 : memref<624x128xf32, #tpu.memory_space<vmem_shared>>) target(%dma_start3A_979 : memref<624x128xf32, #tpu.memory_space<hbm>>) target_semaphore(%run_scoped3A_976 : memref<!tpu.dma_semaphore, #tpu.memory_space<semaphore_mem>>)
      %dma_wait3A_982 = arith.constant 0 : i32
      %dma_wait3A_983 = tpu.memref_slice %arg4[%arg0, %mul3A_834, %dma_wait3A_982] : memref<2x10000x128xf32, #tpu.memory_space<hbm>> -> memref<1x624x128xf32, #tpu.memory_space<hbm>>
      %dma_wait3A_984 = tpu.memref_squeeze %dma_wait3A_983 : memref<1x624x128xf32, #tpu.memory_space<hbm>> -> memref<624x128xf32, #tpu.memory_space<hbm>>
      %dma_wait3A_985 = arith.constant 0 : i32
      %dma_wait3A_986 = tpu.memref_slice %arg5[%mul3A_834, %dma_wait3A_985] : memref<10000x128xf32, #tpu.memory_space<vmem_shared>> -> memref<624x128xf32, #tpu.memory_space<vmem_shared>>
      tpu.wait_dma2 semaphore(%run_scoped3A_976 : memref<!tpu.dma_semaphore, #tpu.memory_space<semaphore_mem>>) src(%dma_wait3A_986 : memref<624x128xf32, #tpu.memory_space<vmem_shared>>) dst(%dma_wait3A_984 : memref<624x128xf32, #tpu.memory_space<hbm>>)
      tpu.yield
    }) : () -> ()
    %eq3A_971 = arith.constant 15 : i32
    %eq3A_972 = arith.cmpi eq, %arg1, %eq3A_971 : i32
    %convert_element_type3A_973 = arith.extui %eq3A_972 : i1 to i32
    %cond3A_974 = arith.constant 0 : i32
    %cond3A_975 = arith.cmpi ne, %convert_element_type3A_973, %cond3A_974 : i32
    scf.if %cond3A_975 {
      "tpu.region"() ({
        %run_scoped3A_976 = tpu.sem_alloc : memref<!tpu.dma_semaphore, #tpu.memory_space<semaphore_mem>>
        %dma_start3A_977 = arith.constant 9984 : i32
        %dma_start3A_978 = arith.constant 0 : i32
        %dma_start3A_979 = tpu.memref_slice %arg4[%arg0, %dma_start3A_977, %dma_start3A_978] : memref<2x10000x128xf32, #tpu.memory_space<hbm>> -> memref<1x16x128xf32, #tpu.memory_space<hbm>>
        %dma_start3A_980 = tpu.memref_squeeze %dma_start3A_979 : memref<1x16x128xf32, #tpu.memory_space<hbm>> -> memref<16x128xf32, #tpu.memory_space<hbm>>
        %dma_start3A_981 = arith.constant 9984 : i32
        %dma_start3A_982 = arith.constant 0 : i32
        %dma_start3A_983 = tpu.memref_slice %arg5[%dma_start3A_981, %dma_start3A_982] : memref<10000x128xf32, #tpu.memory_space<vmem_shared>> -> memref<16x128xf32, #tpu.memory_space<vmem_shared>>
        tpu.enqueue_dma source(%dma_start3A_983 : memref<16x128xf32, #tpu.memory_space<vmem_shared>>) target(%dma_start3A_980 : memref<16x128xf32, #tpu.memory_space<hbm>>) target_semaphore(%run_scoped3A_976 : memref<!tpu.dma_semaphore, #tpu.memory_space<semaphore_mem>>)
        %dma_wait3A_984 = arith.constant 9984 : i32
        %dma_wait3A_985 = arith.constant 0 : i32
        %dma_wait3A_986 = tpu.memref_slice %arg4[%arg0, %dma_wait3A_984, %dma_wait3A_985] : memref<2x10000x128xf32, #tpu.memory_space<hbm>> -> memref<1x16x128xf32, #tpu.memory_space<hbm>>
        %dma_wait3A_987 = tpu.memref_squeeze %dma_wait3A_986 : memref<1x16x128xf32, #tpu.memory_space<hbm>> -> memref<16x128xf32, #tpu.memory_space<hbm>>
        %dma_wait3A_988 = arith.constant 9984 : i32
        %dma_wait3A_989 = arith.constant 0 : i32
        %dma_wait3A_990 = tpu.memref_slice %arg5[%dma_wait3A_988, %dma_wait3A_989] : memref<10000x128xf32, #tpu.memory_space<vmem_shared>> -> memref<16x128xf32, #tpu.memory_space<vmem_shared>>
        tpu.wait_dma2 semaphore(%run_scoped3A_976 : memref<!tpu.dma_semaphore, #tpu.memory_space<semaphore_mem>>) src(%dma_wait3A_990 : memref<16x128xf32, #tpu.memory_space<vmem_shared>>) dst(%dma_wait3A_987 : memref<16x128xf32, #tpu.memory_space<hbm>>)
        tpu.yield
      }) : () -> ()
    } else {
    }
    return
  }
}

module attributes {stable_mosaic.version = 14 : i64} {
  func.func @body(%arg0: i32, %arg1: memref<2x2000x128xf32, #tpu.memory_space<vmem>>, %arg2: memref<2000x128xf32, #tpu.memory_space<vmem>>, %arg3: memref<2000x128xf32, #tpu.memory_space<vmem>>) attributes {dimension_semantics = [#tpu.dimension_semantics<arbitrary>], iteration_bounds = array<i64: 5>, scalar_prefetch = 0 : i64, scratch_operands = 0 : i64, tpu.core_type = #tpu.core_type<tc>, window_params = [{transform_indices = @transform_0, window_bounds = array<i64: 2, 2000, 128>}, {transform_indices = @transform_1, window_bounds = array<i64: 2000, 128>}, {transform_indices = @transform_2, window_bounds = array<i64: 2000, 128>}]} {
    %get3A = arith.constant 0 : index
    %get3A_0 = arith.constant 0 : index
    %get3A_1 = arith.constant 0 : index
    %get3A_2 = vector.load %arg1[%get3A, %get3A_0, %get3A_1] : memref<2x2000x128xf32, #tpu.memory_space<vmem>>, vector<1x2000x128xf32>
    %get3A_3 = vector.shape_cast %get3A_2 : vector<1x2000x128xf32> to vector<2000x128xf32>
    %get3A_4 = arith.constant 1 : index
    %get3A_5 = arith.constant 0 : index
    %get3A_6 = arith.constant 0 : index
    %get3A_7 = vector.load %arg1[%get3A_4, %get3A_5, %get3A_6] : memref<2x2000x128xf32, #tpu.memory_space<vmem>>, vector<1x2000x128xf32>
    %get3A_8 = vector.shape_cast %get3A_7 : vector<1x2000x128xf32> to vector<2000x128xf32>
    %add3A = arith.addf %get3A_3, %get3A_8 : vector<2000x128xf32>
    %get3A_9 = arith.constant 0 : index
    %get3A_10 = arith.constant 0 : index
    %get3A_11 = vector.load %arg2[%get3A_9, %get3A_10] : memref<2000x128xf32, #tpu.memory_space<vmem>>, vector<2000x128xf32>
    %mul3A = arith.constant 2.000000e+00 : f32
    %mul3A_12 = vector.broadcast %mul3A : f32 to vector<2000x128xf32>
    %mul3A_13 = arith.mulf %mul3A_12, %get3A_11 : vector<2000x128xf32>
    %sub3A = arith.subf %add3A, %mul3A_13 : vector<2000x128xf32>
    %mul3A_14 = arith.constant 1.000000e+04 : f32
    %mul3A_15 = vector.broadcast %mul3A_14 : f32 to vector<2000x128xf32>
    %mul3A_16 = arith.mulf %sub3A, %mul3A_15 : vector<2000x128xf32>
    %swap3A = arith.constant 0 : index
    %swap3A_17 = arith.constant 0 : index
    %swap3A_18 = vector.load %arg3[%swap3A, %swap3A_17] : memref<2000x128xf32, #tpu.memory_space<vmem>>, vector<2000x128xf32>
    tpu.vector_store %arg3[%swap3A, %swap3A_17], %mul3A_16 {strides = array<i32>} : memref<2000x128xf32, #tpu.memory_space<vmem>>, vector<2000x128xf32>,
    return
  }
  func.func @transform_0(%arg0: i32) -> (i32, i32, i32) {
    %c0_i32 = arith.constant 0 : i32
    %c0_i32_0 = arith.constant 0 : i32
    %c0_i32_1 = arith.constant 0 : i32
    return %c0_i32, %arg0, %c0_i32_0 : i32, i32, i32
  }
  func.func @transform_1(%arg0: i32) -> (i32, i32) {
    %c0_i32 = arith.constant 0 : i32
    %c0_i32_0 = arith.constant 0 : i32
    return %arg0, %c0_i32 : i32, i32
  }
  func.func @transform_2(%arg0: i32) -> (i32, i32) {
    %c0_i32 = arith.constant 0 : i32
    %c0_i32_0 = arith.constant 0 : i32
    return %arg0, %c0_i32 : i32, i32
  }
}

</mosaic_0001>

<sc_bundles>
// kernel: kernel.4.cloned.1.call-start
scs
__scs_entry_jumppad:
0x0: {  	(pc) =	sbr.rel $0x88, $3  }
0x1: {  	(tag) =	ssettag $0x0;
	lr =	simm.s32 $0x1  }
0x2: {  	[smem:$0x3F9E] =	sst lr;
	_ =	strace $0xD0000000  }
0x3: {  	_ = 	snop  }
0x4: {  	_ = 	snop  }
0x5: {  	_ = 	snop  }
0x6: {  	_ = 	snop  }
0x7: {  	_ = 	snop  }
__scs_overlays_trampoline_lowered:
0x8: {  	[smem:$0x3FAD] =	sst s0  }
0x9: {  	[smem:$0x3FAE] =	sst s1  }
0xa: {  	[smem:$0x3FAF] =	sst s2  }
0xb: {  	[smem:$0x3FB0] =	sst s3  }
0xc: {  	[smem:$0x3FB1] =	sst s4  }
0xd: {  	[smem:$0x3FB2] =	sst s5  }
0xe: {  	[smem:$0x3FB3] =	sst s6  }
0xf: {  	[smem:$0x3FB4] =	sst s7  }
0x10: {  	[smem:$0x3FB5] =	sst s8  }
0x11: {  	[smem:$0x3FB6] =	sst s9;
	s0 =	simm.s32 @!p0 $0x0  }
0x12: {  	s1 =	sld [smem:$0x3F9C];
	s0 =	simm.s32 @p0 $0x1  }
0x13: {  	[smem:$0x3FB7] =	sst s0;
	s0 =	simm.s32 @!p1 $0x0  }
0x14: {  	s2 =	sld [smem:$0x3F9B];
	s0 =	simm.s32 @p1 $0x1  }
0x15: {  	[smem:$0x3FB8] =	sst s0;
	s0 =	simm.s32 @!p2 $0x0  }
0x16: {  	s3 =	sld [smem:$0x3FDB];
	s0 =	simm.s32 @p2 $0x1  }
0x17: {  	s4 =	simm.s32 $0x1BF5;
	[smem:$0x3FBA] =	sst s0  }
0x18: {  	s0 =	sld [smem:$0x3F9D];
	_ =	swait.ge [sflag:s4], $0x0  }
0x19: {  	s7 =	sld [smem:$0x3F9E]  }
0x1a: {  	s8 =	sadd.s32 $0xFFFFE003, lr  }
0x1b: {  	s9 =	sadd.s32 $0xFFFFFEF7, lr;
	s5 =	simm.s32 $0xFFFFFFFF;
	p2 =	slt.u32 s8, $0xFFFFF086  }
0x1c: {  	p1 =	slt.u32 s9, $0xF7A;
	s5 =	simm.s32 @!p2 $0x0  }
0x1d: {  	s5 =	simm.s32 @p1 $0x1;
	p0 =	seq.s32 s7, s2  }
0x1e: {  	s7 =	smul.u32 @!p0 $0xF7A, s2;
	p2 =	seq.s32 @!p0 s5, $0x0  }
0x1f: {  	s9 =	smul.u32 $0xF7A, s1;
	s8 =	simm.s32 @!p0 $0x1BF5;
	p2 =	por !p2, p0  }
0x20: {  	[sflag:s8] =	ssyncset.s32 @!p0 $0xFFFFF086;
	s6 =	sadd.s32 @!p0 s3, s7;
	s7 =	simm.s32 @!p0 $0x108  }
0x21: {  	s3 =	sadd.s32 s3, s9;
	s6 =	sadd.s32 @!p0 $0x88, s6;
	s7 =	simm.s32 @p2 $0x1082  }
0x22: {  	[simem:s7], [sflag:s8] =	dma.local @!p0 [hbm:s6], $0xF7A  }
0x23: {  	s9 =	sor.u32 $0xD0000000, s2;
	s6 =	simm.s32 $0x108;
	_ =	swait.ge @!p0 [sflag:s8], $0x0  }
0x24: {  	s3 =	sadd.s32 $0x88, s3;
	s6 =	simm.s32 @!p1 $0x1082;
	[sflag:s4] =	ssyncset.s32 $0xFFFFF086  }
0x25: {  	[simem:s6], [sflag:s4] =	dma.local [hbm:s3], $0xF7A  }
0x26: {  	[smem:$0x3F9E] =	sst s1;
	(tag) =	ssettag s2;
	_ =	strace s9  }
0x27: {  	s1 =	sld [smem:$0x3FAE]  }
0x28: {  	s2 =	sld [smem:$0x3FAF]  }
0x29: {  	s4 =	sld [smem:$0x3FB1]  }
0x2a: {  	p0 =	seq.s32 s5, $0x0;
	s5 =	sld [smem:$0x3FB2]  }
0x2b: {  	s6 =	sld [smem:$0x3FB3]  }
0x2c: {  	s7 =	sld [smem:$0x3FB4]  }
0x2d: {  	s3 =	simm.s32 $0x108;
	s8 =	sld [smem:$0x3FB5]  }
0x2e: {  	s3 =	simm.s32 @!p0 $0x1082;
	s9 =	sld [smem:$0x3FB6]  }
0x2f: {  	lr =	sadd.s32 s0, s3;
	s0 =	sld [smem:$0x3FAD]  }
0x30: {  	s3 =	sld [smem:$0x3FB0]  }
0x31: {  	[smem:$0x3FB9] =	sst s10  }
0x32: {  	s10 =	sld [smem:$0x3FB7];
	_ =	sdelay $0x3  }
0x33: {  	p0 =	seq.s32 s10, $0x1;
	s10 =	sld [smem:$0x3FB9];
	_ =	sdelay $0x3  }
0x34: {  	[smem:$0x3FB9] =	sst s10  }
0x35: {  	s10 =	sld [smem:$0x3FB8];
	_ =	sdelay $0x3  }
0x36: {  	p1 =	seq.s32 s10, $0x1;
	s10 =	sld [smem:$0x3FB9];
	_ =	sdelay $0x3  }
0x37: {  	[smem:$0x3FB9] =	sst s10  }
0x38: {  	s10 =	sld [smem:$0x3FBA]  }
0x39: {  	_ = 	snop;
	(pc) =	sbr.ind lr, $3  }
0x3a: {  	_ = 	snop  }
0x3b: {  	_ = 	snop  }
0x3c: {  	p2 =	seq.s32 s10, $0x1;
	s10 =	sld [smem:$0x3FB9]  }
0x3d: {  	_ =	shalt  }
0x3e: {  	_ =	shalt  }
0x3f: {  	_ =	shalt  }
0x40: {  	_ =	shalt  }
0x41: {  	_ =	shalt  }
0x42: {  	_ =	shalt  }
0x43: {  	_ =	shalt  }
0x44: {  	_ =	shalt  }
0x45: {  	_ =	shalt  }
0x46: {  	_ =	shalt  }
0x47: {  	_ =	shalt  }
0x48: {  	_ =	shalt  }
0x49: {  	_ =	shalt  }
0x4a: {  	_ =	shalt  }
0x4b: {  	_ =	shalt  }
0x4c: {  	_ =	shalt  }
0x4d: {  	_ =	shalt  }
0x4e: {  	_ =	shalt  }
0x4f: {  	_ =	shalt  }
0x50: {  	_ =	shalt  }
0x51: {  	_ =	shalt  }
0x52: {  	_ =	shalt  }
0x53: {  	_ =	shalt  }
0x54: {  	_ =	shalt  }
0x55: {  	_ =	shalt  }
0x56: {  	_ =	shalt  }
0x57: {  	_ =	shalt  }
0x58: {  	_ =	shalt  }
0x59: {  	_ =	shalt  }
0x5a: {  	_ =	shalt  }
0x5b: {  	_ =	shalt  }
0x5c: {  	_ =	shalt  }
0x5d: {  	_ =	shalt  }
0x5e: {  	_ =	shalt  }
0x5f: {  	_ =	shalt  }
0x60: {  	_ =	shalt  }
0x61: {  	_ =	shalt  }
0x62: {  	_ =	shalt  }
0x63: {  	_ =	shalt  }
0x64: {  	_ =	shalt  }
0x65: {  	_ =	shalt  }
0x66: {  	_ =	shalt  }
0x67: {  	_ =	shalt  }
0x68: {  	_ =	shalt  }
0x69: {  	_ =	shalt  }
0x6a: {  	_ =	shalt  }
0x6b: {  	_ =	shalt  }
0x6c: {  	_ =	shalt  }
0x6d: {  	_ =	shalt  }
0x6e: {  	_ =	shalt  }
0x6f: {  	_ =	shalt  }
0x70: {  	_ =	shalt  }
0x71: {  	_ =	shalt  }
0x72: {  	_ =	shalt  }
0x73: {  	_ =	shalt  }
0x74: {  	_ =	shalt  }
0x75: {  	_ =	shalt  }
0x76: {  	_ =	shalt  }
0x77: {  	_ =	shalt  }
0x78: {  	_ =	shalt  }
0x79: {  	_ =	shalt  }
0x7a: {  	_ =	shalt  }
0x7b: {  	_ =	shalt  }
0x7c: {  	_ =	shalt  }
0x7d: {  	_ =	shalt  }
0x7e: {  	_ =	shalt  }
0x7f: {  	_ =	shalt  }
0x80: {  	_ =	shalt  }
0x81: {  	_ =	shalt  }
0x82: {  	_ =	shalt  }
0x83: {  	_ =	shalt  }
0x84: {  	_ =	shalt  }
0x85: {  	_ =	shalt  }
0x86: {  	_ =	shalt  }
0x87: {  	_ =	shalt  }
.Lfunc_end0:
.L_simem_size_0:
called_computation_lowered:
.L_overlay_start_0:
0x88: {  	s2 =	sld [smem:$0x3FD9]  }
0x89: {  	s3 =	sld [smem:$0x3FFE];
	_ =	sdelay $0x1  }
0x8a: {  	s1 =	srdreg.scid  }
0x8b: {  	s0 =	sand.u32 $0x1, s1  }
0x8c: {  	s17 =	sshll.u32 s0, $0xA;
	s2 =	sadd.s32 s3, s2  }
0x8d: {  	s2 =	sadd.s32 s2, s17  }
0x8e: {  	[smem:$0x3FC5] =	sst s2  }
0x8f: {  	_ = 	snop  }
0x90: {  	s2 =	sld [smem:$0x3FC7]  }
0x91: {  	s18 =	sld [smem:$0x3FD0];
	(tm) =	ssettm $0x1  }
0x92: {  	s4 =	sld [smem:$0x3FFB];
	_ =	sdelay $0x3  }
0x93: {  	_ =	strace s4  }
0x94: {  	s4 =	sld [smem:$0x3FFC];
	_ =	sdelay $0x3  }
0x95: {  	_ =	strace s4  }
0x96: {  	s4 =	sld [smem:$0x3FFD];
	_ =	sdelay $0x3  }
0x97: {  	_ =	strace s4  }
0x98: {  	_ =	strace $0x8FFFFFFF  }
0x99: {  	s19 =	sld [smem:$0x3FDB];
	_ =	sdelay $0x1  }
0x9a: {  	s5 =	simm.s32 $_scs_section_size  }
0x9b: {  	s6 =	simm.s32 $_size__tile_overlayer_lowered;
	s7 =	simm.s32 $_tile_overlayer_lowered  }
0x9c: {  	s22 =	simm.s32 $0x1BFF;
	s21 =	sshll.u32 s7, $0x1;
	s4 =	sadd.s32 s5, s19  }
0x9d: {  	s8 =	simm.s32 $0x0;
	s20 =	sshll.u32 s6, $0x1;
	s6 =	sadd.s32 s21, s4  }
0x9e: {  	[timem:s8], [sflag:s22] =	dma.local [hbm:s6], s20  }
0x9f: {  	_ =	swait.ge [sflag:s22], s20  }
0xa0: {  	s5 =	ssub.s32 $0x0, s20;
	[sflag:s22] =	ssyncset.done $0x0  }
0xa1: {  	[sflag:s22] =	ssyncadd.s32 s5;
	_ =	sdelay $0x1  }
0xa2: {  	s23 =	simm.s32 $0x1B8B  }
0xa3: {  	_ =	swait.ge [sflag:s23], $0x1  }
0xa4: {  	[sflag:s23] =	ssyncset.done $0x0  }
0xa5: {  	s25 =	simm.s32 $0x1B8E;
	s24 =	sld [smem:$0x3FFE];
	[sflag:s23] =	ssyncadd.s32 $0xFFFFFFFF  }
0xa6: {  	s26 =	simm.s32 $execute0_lowered;
	[smem:$0x3FD2] =	sst s25  }
0xa7: {  	s6 =	sshll.u32 s26, $0x1;
	_ =	strace $0x80000046;
	[dreg:$0x1] =	wrdreg $0xFFFFFFFF  }
0xa8: {  	s28 =	simm.s32 $_size_execute0_lowered;
	s4 =	sadd.s32 s4, s6;
	[dreg:$0x0] =	wrdreg $0x0  }
0xa9: {  	s6 =	sshll.u32 s28, $0x1;
	[dreg:$0x2] =	wrdreg s4  }
0xaa: {  	[dreg:$0x3] =	wrdreg s6  }
0xab: {  	[dreg:$0x4] =	wrdreg $0xC0  }
0xac: {  	_ =	task [dreg:s8], $0x5FFFF  }
0xad: {  	[dreg:$0x1] =	wrdreg $0xFFFFFFFF  }
0xae: {  	[dreg:$0x0] =	wrdreg $0x60  }
0xaf: {  	[dreg:$0x2] =	wrdreg s18  }
0xb0: {  	[dreg:$0x3] =	wrdreg s2  }
0xb1: {  	[dreg:$0x4] =	wrdreg s24  }
0xb2: {  	[dreg:$0x5] =	wrdreg $0x0  }
0xb3: {  	[dreg:$0x6] =	wrdreg $0x9  }
0xb4: {  	_ =	task.clear_ibuf [dreg:s8], $0x7FFFF;
	_ =	strace $0x90000046  }
0xb5: {  	s29 =	simm.s32 $0x9;
	_ =	strace $0x80000048  }
0xb6: {  	_ =	swait.ge [sflag:s29], $0x1  }
0xb7: {  	[sflag:s29] =	ssyncadd.s32 $0xFFFFFFFF  }
0xb8: {  	_ =	strace $0x90000048  }
0xb9: {  	_ =	sfence  }
0xba: {  	s30 =	sld [smem:$0x0];
	_ =	sdelay $0x2  }
0xbb: {  	s31 =	sshll.u32 s1, $0xD;
	s1 =	sshrl.u32 s1, $0x2  }
0xbc: {  	s3 =	sand.u32 $0x4000, s31;
	s1 =	sadd.s32 s1, s30  }
0xbd: {  	s0 =	sor.u32 s3, s0;
	s1 =	sshll.u32 s1, $0x11  }
0xbe: {  	s0 =	sor.u32 s1, s0  }
0xbf: {  	s0 =	sadd.s32 $0x8F2B, s0  }
0xc0: {  	[sflag:s0] =	ssyncadd.remote.s32 $0x1  }
0xc1: {  	_ =	sfence.sel $0xFFFF  }
0xc2: {  	[dreg:$0x0] =	wrdreg $0xFFFFFFFF;
	(pc) =	sbr.abs _section_cstart, $3  }
0xc3: {  	[dreg:$0x1] =	wrdreg $0xFFFFFFFF  }
0xc4: {  	_ =	task.clear_ibuf [dreg:s8], $0x2FFFF;
	_ =	strace $0x9FFFFFFF  }
0xc5: {  	(tm) =	ssettm $0x7FFFFFFF  }
tec
execute0_lowered:
.L_overlay_start_1:
0x0: {  	(tag) =	ssettag $0x1  }
0x1: {  	s0 =	rddreg [dreg:$0x0]  }
0x2: {  	s1 =	rddreg [dreg:$0x1]  }
0x3: {  	s4 =	rddreg [dreg:$0x2]  }
0x4: {  	s3 =	srdreg.scid;
	s18 =	stileid.u32  }
0x5: {  	s2 =	rddreg [dreg:$0x3];
	s19 =	simm.s32 $0x17880;
	s20 =	simm.s32 $0x1A080  }
0x6: {  	s21 =	simm.s32 $0x1C880;
	s28 =	simm.s32 $0x50;
	s29 =	simm.s32 $0x6  }
0x7: {  	s30 =	simm.s32 $0x2;
	s5 =	sand.u32 $0x1, s3;
	s10 =	smul.u32 $0x4E000, s18  }
0x8: {  	s6 =	sshll.u32 s18, $0x1;
	s3 =	simm.s32 $0x0;
	s25 =	smul.u32 $0x13800, s18  }
0x9: {  	s13 =	sadd.s32 $0x800, s4;
	s12 =	sadd.s32 $0x138000, s2;
	s16 =	smul.u32 $0x4E200, s18  }
0xa: {  	p0 =	sne.s32 s18, $0xF;
	s7 =	sor.u32 s5, s6;
	s14 =	smul.u32 $0x138800, s5  }
0xb: {  	[smem:$0x7FF] =	sst s3;
	s22 =	ssub.s32 $0x2, s5;
	s5 =	smul.u32 $0x27100, s5  }
0xc: {  	s31 =	simm.s32 $0x3;
	s6 =	smul.u32 $0x138800, s7;
	_ =	strace $0x80000047  }
0xd: {  	s8 =	smul.u32 $0x27100, s7;
	s9 =	sshrl.u32 s22, $0x1;
	s7 =	sshll.u32 s7, $0xB  }
0xe: {  	s24 =	sshrl.u32 s10, $0x2;
	s26 =	sadd.s32 s16, s1;
	s15 =	ssub.s32 s22, s9  }
0xf: {  	s0 =	sadd.s32 s7, s0;
	s7 =	sadd.s32 s24, s2;
	s24 =	simm.s32 $0x4  }
0x10: {  	s22 =	simm.s32 $0x0;
	s6 =	sshrl.u32 s6, $0x3;
	s4 =	sadd.s32 s1, s8  }
0x11: {  	s0 =	sadd.s32 $0x10000, s0;
	s9 =	sadd.s32 $0x12000, s7;
	s10 =	sadd.s32 $0x12800, s7  }
0x12: {  	s11 =	sadd.s32 $0x13000, s7;
	s15 =	smax.u32 s15, $0x1;
	s6 =	sadd.s32 s1, s6  }
0x13: {  	[dreg:$0x7] =	wrdreg s0;
	s0 =	sadd.s32 s25, s14;
	s14 =	sshrl.u32 s14, $0x3  }
0x14: {  	s16 =	sadd.s32 $0x26700, s4;
	s17 =	sadd.s32 $0x26C00, s4;
	s23 =	sadd.s32 $0x500, s6  }
0x15: {  	s25 =	simm.s32 $0x5;
	s6 =	sadd.s32 $0xA00, s6;
	[dreg:$0x5] =	wrdreg s23  }
0x16: {  	s0 =	sshrl.u32 s0, $0x3;
	s14 =	sadd.s32 s13, s14;
	[dreg:$0x6] =	wrdreg s6  }
0x17: {  	s13 =	sadd.s32 s13, s0;
	s14 =	sadd.s32 $0x27000, s14;
	s0 =	sadd.s32 s5, s26  }
0x18: {  	v0 =	vimm.f32 $0.0e+00;
	s23 =	simm.s32 $0x1F080;
	s26 =	simm.s32 $0x1;
	s5 =	sadd.s32 $0x1900, s0  }
.LBB2_1:
0x19: {  	[tilespmem:s19], [sflag:$0x1] =	stream.linear.gather [hbm4b:s4+s3], $0x2800, $0x38;
	[tilespmem:$0x1F880] =	vst v63  }
0x1a: {  	s0 =	rddreg [dreg:$0x5]  }
0x1b: {  	[tilespmem:s20], [sflag:$0x2] =	stream.linear.gather [hbm4b:s0+s3], $0x2800, $0x38;
	[tilespmem:$0x1F880] =	vst v63  }
0x1c: {  	s8 =	rddreg [dreg:$0x6]  }
0x1d: {  	[tilespmem:s21], [sflag:$0x3] =	stream.linear.gather [hbm4b:s8+s3], $0x2800, $0x38;
	[tilespmem:$0x1F880] =	vst v63  }
0x1e: {  	s18 =	rddreg [dreg:$0x7];
	s1 =	simm.s32 $0x13880  }
0x1f: {  	[tilespmem:s1], [sflag:$0x5] =	stream.linear.gather [hbm4b:s18+s3], $0x3E80, $0x38;
	[tilespmem:$0x1F880] =	vst v63  }
0x20: {  	[tilespmem:$0x1F080] =	vst v0  }
0x21: {  	[tilespmem:$0x1F090] =	vst v0  }
0x22: {  	[tilespmem:$0x1F0A0] =	vst v0  }
0x23: {  	[tilespmem:$0x1F0B0] =	vst v0  }
0x24: {  	[tilespmem:$0x1F0C0] =	vst v0  }
0x25: {  	[tilespmem:$0x1F0D0] =	vst v0  }
0x26: {  	[tilespmem:$0x1F0E0] =	vst v0  }
0x27: {  	[tilespmem:$0x1F0F0] =	vst v0  }
0x28: {  	[tilespmem:$0x1F100] =	vst v0  }
0x29: {  	[tilespmem:$0x1F110] =	vst v0  }
0x2a: {  	[tilespmem:$0x1F120] =	vst v0  }
0x2b: {  	[tilespmem:$0x1F130] =	vst v0  }
0x2c: {  	[tilespmem:$0x1F140] =	vst v0  }
0x2d: {  	[tilespmem:$0x1F150] =	vst v0  }
0x2e: {  	[tilespmem:$0x1F160] =	vst v0  }
0x2f: {  	[tilespmem:$0x1F170] =	vst v0  }
0x30: {  	[tilespmem:$0x1F180] =	vst v0  }
0x31: {  	[tilespmem:$0x1F190] =	vst v0  }
0x32: {  	[tilespmem:$0x1F1A0] =	vst v0  }
0x33: {  	[tilespmem:$0x1F1B0] =	vst v0  }
0x34: {  	[tilespmem:$0x1F1C0] =	vst v0  }
0x35: {  	[tilespmem:$0x1F1D0] =	vst v0  }
0x36: {  	[tilespmem:$0x1F1E0] =	vst v0  }
0x37: {  	[tilespmem:$0x1F1F0] =	vst v0  }
0x38: {  	[tilespmem:$0x1F200] =	vst v0  }
0x39: {  	[tilespmem:$0x1F210] =	vst v0  }
0x3a: {  	[tilespmem:$0x1F220] =	vst v0  }
0x3b: {  	[tilespmem:$0x1F230] =	vst v0  }
0x3c: {  	[tilespmem:$0x1F240] =	vst v0  }
0x3d: {  	[tilespmem:$0x1F250] =	vst v0  }
0x3e: {  	[tilespmem:$0x1F260] =	vst v0  }
0x3f: {  	[tilespmem:$0x1F270] =	vst v0  }
0x40: {  	[tilespmem:$0x1F280] =	vst v0  }
0x41: {  	[tilespmem:$0x1F290] =	vst v0  }
0x42: {  	[tilespmem:$0x1F2A0] =	vst v0  }
0x43: {  	[tilespmem:$0x1F2B0] =	vst v0  }
0x44: {  	[tilespmem:$0x1F2C0] =	vst v0  }
0x45: {  	[tilespmem:$0x1F2D0] =	vst v0  }
0x46: {  	[tilespmem:$0x1F2E0] =	vst v0  }
0x47: {  	[tilespmem:$0x1F2F0] =	vst v0  }
0x48: {  	[tilespmem:$0x1F300] =	vst v0  }
0x49: {  	[tilespmem:$0x1F310] =	vst v0  }
0x4a: {  	[tilespmem:$0x1F320] =	vst v0  }
0x4b: {  	[tilespmem:$0x1F330] =	vst v0  }
0x4c: {  	[tilespmem:$0x1F340] =	vst v0  }
0x4d: {  	[tilespmem:$0x1F350] =	vst v0  }
0x4e: {  	[tilespmem:$0x1F360] =	vst v0  }
0x4f: {  	[tilespmem:$0x1F370] =	vst v0  }
0x50: {  	[tilespmem:$0x1F380] =	vst v0  }
0x51: {  	[tilespmem:$0x1F390] =	vst v0  }
0x52: {  	[tilespmem:$0x1F3A0] =	vst v0  }
0x53: {  	[tilespmem:$0x1F3B0] =	vst v0  }
0x54: {  	[tilespmem:$0x1F3C0] =	vst v0  }
0x55: {  	[tilespmem:$0x1F3D0] =	vst v0  }
0x56: {  	[tilespmem:$0x1F3E0] =	vst v0  }
0x57: {  	[tilespmem:$0x1F3F0] =	vst v0  }
0x58: {  	[tilespmem:$0x1F400] =	vst v0  }
0x59: {  	[tilespmem:$0x1F410] =	vst v0  }
0x5a: {  	[tilespmem:$0x1F420] =	vst v0  }
0x5b: {  	[tilespmem:$0x1F430] =	vst v0  }
0x5c: {  	[tilespmem:$0x1F440] =	vst v0  }
0x5d: {  	[tilespmem:$0x1F450] =	vst v0  }
0x5e: {  	[tilespmem:$0x1F460] =	vst v0  }
0x5f: {  	[tilespmem:$0x1F470] =	vst v0  }
0x60: {  	[tilespmem:$0x1F480] =	vst v0  }
0x61: {  	[tilespmem:$0x1F490] =	vst v0  }
0x62: {  	[tilespmem:$0x1F4A0] =	vst v0  }
0x63: {  	[tilespmem:$0x1F4B0] =	vst v0  }
0x64: {  	[tilespmem:$0x1F4C0] =	vst v0  }
0x65: {  	[tilespmem:$0x1F4D0] =	vst v0  }
0x66: {  	[tilespmem:$0x1F4E0] =	vst v0  }
0x67: {  	[tilespmem:$0x1F4F0] =	vst v0  }
0x68: {  	[tilespmem:$0x1F500] =	vst v0  }
0x69: {  	[tilespmem:$0x1F510] =	vst v0  }
0x6a: {  	[tilespmem:$0x1F520] =	vst v0  }
0x6b: {  	[tilespmem:$0x1F530] =	vst v0  }
0x6c: {  	[tilespmem:$0x1F540] =	vst v0  }
0x6d: {  	[tilespmem:$0x1F550] =	vst v0  }
0x6e: {  	[tilespmem:$0x1F560] =	vst v0  }
0x6f: {  	[tilespmem:$0x1F570] =	vst v0  }
0x70: {  	[tilespmem:$0x1F580] =	vst v0  }
0x71: {  	[tilespmem:$0x1F590] =	vst v0  }
0x72: {  	[tilespmem:$0x1F5A0] =	vst v0  }
0x73: {  	[tilespmem:$0x1F5B0] =	vst v0  }
0x74: {  	[tilespmem:$0x1F5C0] =	vst v0  }
0x75: {  	[tilespmem:$0x1F5D0] =	vst v0  }
0x76: {  	[tilespmem:$0x1F5E0] =	vst v0  }
0x77: {  	[tilespmem:$0x1F5F0] =	vst v0  }
0x78: {  	[tilespmem:$0x1F600] =	vst v0  }
0x79: {  	[tilespmem:$0x1F610] =	vst v0  }
0x7a: {  	[tilespmem:$0x1F620] =	vst v0  }
0x7b: {  	[tilespmem:$0x1F630] =	vst v0  }
0x7c: {  	[tilespmem:$0x1F640] =	vst v0  }
0x7d: {  	[tilespmem:$0x1F650] =	vst v0  }
0x7e: {  	[tilespmem:$0x1F660] =	vst v0  }
0x7f: {  	[tilespmem:$0x1F670] =	vst v0  }
0x80: {  	[tilespmem:$0x1F680] =	vst v0  }
0x81: {  	[tilespmem:$0x1F690] =	vst v0  }
0x82: {  	[tilespmem:$0x1F6A0] =	vst v0  }
0x83: {  	[tilespmem:$0x1F6B0] =	vst v0  }
0x84: {  	[tilespmem:$0x1F6C0] =	vst v0  }
0x85: {  	[tilespmem:$0x1F6D0] =	vst v0  }
0x86: {  	[tilespmem:$0x1F6E0] =	vst v0  }
0x87: {  	[tilespmem:$0x1F6F0] =	vst v0  }
0x88: {  	[tilespmem:$0x1F700] =	vst v0  }
0x89: {  	[tilespmem:$0x1F710] =	vst v0  }
0x8a: {  	[tilespmem:$0x1F720] =	vst v0  }
0x8b: {  	[tilespmem:$0x1F730] =	vst v0  }
0x8c: {  	[tilespmem:$0x1F740] =	vst v0  }
0x8d: {  	[tilespmem:$0x1F750] =	vst v0  }
0x8e: {  	[tilespmem:$0x1F760] =	vst v0  }
0x8f: {  	[tilespmem:$0x1F770] =	vst v0  }
0x90: {  	[tilespmem:$0x1F780] =	vst v0  }
0x91: {  	[tilespmem:$0x1F790] =	vst v0  }
0x92: {  	[tilespmem:$0x1F7A0] =	vst v0  }
0x93: {  	[tilespmem:$0x1F7B0] =	vst v0  }
0x94: {  	[tilespmem:$0x1F7C0] =	vst v0  }
0x95: {  	[tilespmem:$0x1F7D0] =	vst v0  }
0x96: {  	[tilespmem:$0x1F7E0] =	vst v0  }
0x97: {  	[tilespmem:$0x1F7F0] =	vst v0  }
0x98: {  	[tilespmem:$0x1F800] =	vst v0  }
0x99: {  	[tilespmem:$0x1F810] =	vst v0  }
0x9a: {  	[tilespmem:$0x1F820] =	vst v0  }
0x9b: {  	[tilespmem:$0x1F830] =	vst v0  }
0x9c: {  	[tilespmem:$0x1F840] =	vst v0  }
0x9d: {  	[tilespmem:$0x1F850] =	vst v0  }
0x9e: {  	[tilespmem:$0x1F860] =	vst v0  }
0x9f: {  	s6 =	sadd.s32 $0x0, s7;
	[tilespmem:$0x1F870] =	vst v0  }
0xa0: {  	[spmem:s6] =	stream.linear.scatter [tilespmem:s23], [sflag:$0x4], $0x800, $0x38;
	[tilespmem:$0x1F880] =	vst v63  }
0xa1: {  	s8 =	sadd.s32 $0x800, s6  }
0xa2: {  	[spmem:s8] =	stream.linear.scatter [tilespmem:s23], [sflag:$0x4], $0x800, $0x38;
	[tilespmem:$0x1F880] =	vst v63  }
0xa3: {  	s18 =	sadd.s32 $0x1000, s6  }
0xa4: {  	[spmem:s18] =	stream.linear.scatter [tilespmem:s23], [sflag:$0x4], $0x800, $0x38;
	[tilespmem:$0x1F880] =	vst v63  }
0xa5: {  	s0 =	sadd.s32 $0x1800, s6  }
0xa6: {  	[spmem:s0] =	stream.linear.scatter [tilespmem:s23], [sflag:$0x4], $0x800, $0x38;
	[tilespmem:$0x1F880] =	vst v63  }
0xa7: {  	_ =	swait.ge [sflag:s24], $0x800  }
0xa8: {  	[sflag:s24] =	ssyncset.done $0x0  }
0xa9: {  	[sflag:s24] =	ssyncadd.s32 $0xFFFFF800  }
0xaa: {  	_ =	swait.ge [sflag:s24], $0x800  }
0xab: {  	[sflag:s24] =	ssyncset.done $0x0  }
0xac: {  	[sflag:s24] =	ssyncadd.s32 $0xFFFFF800  }
0xad: {  	_ =	swait.ge [sflag:s24], $0x800  }
0xae: {  	[sflag:s24] =	ssyncset.done $0x0  }
0xaf: {  	[sflag:s24] =	ssyncadd.s32 $0xFFFFF800  }
0xb0: {  	_ =	swait.ge [sflag:s24], $0x800  }
0xb1: {  	s1 =	simm.s32 $0x2000;
	s0 =	simm.s32 $0x10000;
	[sflag:s24] =	ssyncset.done $0x0  }
.LBB2_2:
0xb2: {  	s1 =	sadd.s32 s1, s7  }
0xb3: {  	[sflag:s24] =	ssyncadd.s32 $0xFFFFF800;
	s18 =	smov.u32 s0;
	s6 =	sadd.s32 $0x8000, s0  }
0xb4: {  	[spmem:s1] =	stream.linear.scatter [tilespmem:s23], [sflag:$0x4], $0x800, $0x38;
	[tilespmem:$0x1F880] =	vst v63  }
0xb5: {  	p1 =	sne.s32 s0, $0x40000;
	s0 =	sadd.s32 $0x800, s1  }
0xb6: {  	[spmem:s0] =	stream.linear.scatter [tilespmem:s23], [sflag:$0x4], $0x800, $0x38;
	[tilespmem:$0x1F880] =	vst v63  }
0xb7: {  	s0 =	sadd.s32 $0x1000, s1  }
0xb8: {  	[spmem:s0] =	stream.linear.scatter [tilespmem:s23], [sflag:$0x4], $0x800, $0x38;
	[tilespmem:$0x1F880] =	vst v63  }
0xb9: {  	s0 =	sadd.s32 $0x1800, s1  }
0xba: {  	[spmem:s0] =	stream.linear.scatter [tilespmem:s23], [sflag:$0x4], $0x800, $0x38;
	[tilespmem:$0x1F880] =	vst v63  }
0xbb: {  	_ =	swait.ge [sflag:s24], $0x800  }
0xbc: {  	[sflag:s24] =	ssyncset.done $0x0  }
0xbd: {  	[sflag:s24] =	ssyncadd.s32 $0xFFFFF800  }
0xbe: {  	_ =	swait.ge [sflag:s24], $0x800  }
0xbf: {  	[sflag:s24] =	ssyncset.done $0x0  }
0xc0: {  	[sflag:s24] =	ssyncadd.s32 $0xFFFFF800  }
.Ltmp0:
0xc1: {  	_ =	swait.ge [sflag:s24], $0x800;
	(pc) =	sbr.rel @p1 .LBB2_2-.Ltmp0, $4  }
0xc2: {  	[sflag:s24] =	ssyncset.done $0x0  }
0xc3: {  	[sflag:s24] =	ssyncadd.s32 $0xFFFFF800  }
0xc4: {  	_ =	swait.ge [sflag:s24], $0x800  }
0xc5: {  	s1 =	sshra.s32 s18, $0x2;
	s0 =	smov.u32 s6;
	[sflag:s24] =	ssyncset.done $0x0  }
0xc6: {  	s0 =	sadd.s32 s1, s7;
	[sflag:s24] =	ssyncadd.s32 $0xFFFFF800  }
0xc7: {  	[spmem:s0] =	stream.linear.scatter [tilespmem:s23], [sflag:$0x4], $0x800, $0x38;
	[tilespmem:$0x1F880] =	vst v63  }
0xc8: {  	s1 =	sadd.s32 $0x800, s0  }
0xc9: {  	[spmem:s1] =	stream.linear.scatter [tilespmem:s23], [sflag:$0x4], $0x800, $0x38;
	[tilespmem:$0x1F880] =	vst v63  }
0xca: {  	s8 =	sadd.s32 $0x1000, s0  }
0xcb: {  	[spmem:s8] =	stream.linear.scatter [tilespmem:s23], [sflag:$0x4], $0x800, $0x38;
	[tilespmem:$0x1F880] =	vst v63  }
0xcc: {  	s0 =	sadd.s32 $0x1800, s0  }
0xcd: {  	[spmem:s0] =	stream.linear.scatter [tilespmem:s23], [sflag:$0x4], $0x800, $0x38;
	[tilespmem:$0x1F880] =	vst v63  }
0xce: {  	_ =	swait.ge [sflag:s24], $0x800  }
0xcf: {  	[sflag:s24] =	ssyncset.done $0x0  }
0xd0: {  	[sflag:s24] =	ssyncadd.s32 $0xFFFFF800  }
0xd1: {  	_ =	swait.ge [sflag:s24], $0x800  }
0xd2: {  	[sflag:s24] =	ssyncset.done $0x0  }
0xd3: {  	[sflag:s24] =	ssyncadd.s32 $0xFFFFF800  }
0xd4: {  	_ =	swait.ge [sflag:s24], $0x800  }
0xd5: {  	[sflag:s24] =	ssyncset.done $0x0  }
0xd6: {  	[sflag:s24] =	ssyncadd.s32 $0xFFFFF800  }
0xd7: {  	_ =	swait.ge [sflag:s24], $0x800  }
0xd8: {  	[sflag:s24] =	ssyncset.done $0x0  }
0xd9: {  	[sflag:s24] =	ssyncadd.s32 $0xFFFFF800  }
0xda: {  	[spmem:s9] =	stream.linear.scatter [tilespmem:s23], [sflag:$0x4], $0x800, $0x38;
	[tilespmem:$0x1F880] =	vst v63  }
0xdb: {  	_ = 	snop  }
0xdc: {  	[spmem:s10] =	stream.linear.scatter [tilespmem:s23], [sflag:$0x4], $0x800, $0x38;
	[tilespmem:$0x1F880] =	vst v63  }
0xdd: {  	_ = 	snop  }
0xde: {  	[spmem:s11] =	stream.linear.scatter [tilespmem:s23], [sflag:$0x4], $0x800, $0x38;
	[tilespmem:$0x1F880] =	vst v63  }
0xdf: {  	s0 =	simm.s32 @!p0 $0x1F080  }
0xe0: {  	[spmem:s12] =	stream.linear.scatter @!p0 [tilespmem:s0], [sflag:$0x4], $0x800, $0x38;
	[tilespmem:$0x1F880] =	vst v63  }
0xe1: {  	s0 =	simm.s32 @!p0 $0x4  }
0xe2: {  	_ =	swait.ge @!p0 [sflag:s0], $0x800  }
0xe3: {  	[sflag:s0] =	ssyncset.done @!p0 $0x0  }
0xe4: {  	[sflag:s0] =	ssyncadd.s32 @!p0 $0xFFFFF800  }
0xe5: {  	_ =	swait.ge [sflag:s24], $0x800  }
0xe6: {  	[sflag:s24] =	ssyncset.done $0x0  }
0xe7: {  	[sflag:s24] =	ssyncadd.s32 $0xFFFFF800  }
0xe8: {  	_ =	swait.ge [sflag:s24], $0x800  }
0xe9: {  	[sflag:s24] =	ssyncset.done $0x0  }
0xea: {  	[sflag:s24] =	ssyncadd.s32 $0xFFFFF800  }
0xeb: {  	_ =	swait.ge [sflag:s24], $0x800  }
0xec: {  	[sflag:s24] =	ssyncset.done $0x0  }
0xed: {  	[sflag:s24] =	ssyncadd.s32 $0xFFFFF800  }
0xee: {  	[bflag:$0x0] =	sbarrier.arrive $0xFFFF  }
0xef: {  	_ =	swait.ge [sflag:s25], $0x3E80  }
0xf0: {  	[sflag:s25] =	ssyncset.done $0x0  }
0xf1: {  	[sflag:s25] =	ssyncadd.s32 $0xFFFFC180  }
0xf2: {  	_ =	swait.ge [sflag:s26], $0x2800  }
0xf3: {  	[sflag:s26] =	ssyncset.done $0x0  }
0xf4: {  	s18 =	simm.s32 $0x13880;
	[sflag:s26] =	ssyncadd.s32 $0xFFFFD800  }
0xf5: {  	[spmem:s2] =	stream.indirect.scatter.add.f32 [tilespmem:s19], [sflag:$0x6], $0x80, s18, s28, $0xb8;
	[tilespmem:$0x1F880] =	vst v63  }
0xf6: {  	_ =	swait.ge [sflag:s29], $0x2800  }
0xf7: {  	[sflag:s29] =	ssyncset.done $0x0  }
0xf8: {  	s1 =	sadd.s32 $0xFFFFF600, s5;
	[sflag:s29] =	ssyncadd.s32 $0xFFFFD800  }
0xf9: {  	[tilespmem:s19], [sflag:$0x1] =	stream.linear.gather [hbm4b:s1+s3], $0x2800, $0x38;
	[tilespmem:$0x1F880] =	vst v63  }
0xfa: {  	_ =	swait.ge [sflag:s30], $0x2800  }
0xfb: {  	[sflag:s30] =	ssyncset.done $0x0  }
0xfc: {  	s6 =	simm.s32 $0x13900;
	[sflag:s30] =	ssyncadd.s32 $0xFFFFD800  }
0xfd: {  	[spmem:s2] =	stream.indirect.scatter.add.f32 [tilespmem:s20], [sflag:$0x6], $0x80, s6, s28, $0xb8;
	[tilespmem:$0x1F880] =	vst v63  }
0xfe: {  	_ =	swait.ge [sflag:s29], $0x2800  }
0xff: {  	[sflag:s29] =	ssyncset.done $0x0  }
0x100: {  	s8 =	sadd.s32 $0xFFFFFB00, s5;
	[sflag:s29] =	ssyncadd.s32 $0xFFFFD800  }
0x101: {  	[tilespmem:s20], [sflag:$0x2] =	stream.linear.gather [hbm4b:s8+s3], $0x2800, $0x38;
	[tilespmem:$0x1F880] =	vst v63  }
0x102: {  	_ =	swait.ge [sflag:s31], $0x2800  }
0x103: {  	[sflag:s31] =	ssyncset.done $0x0  }
0x104: {  	s18 =	simm.s32 $0x13980;
	[sflag:s31] =	ssyncadd.s32 $0xFFFFD800  }
0x105: {  	[spmem:s2] =	stream.indirect.scatter.add.f32 [tilespmem:s21], [sflag:$0x6], $0x80, s18, s28, $0xb8;
	[tilespmem:$0x1F880] =	vst v63  }
0x106: {  	_ =	swait.ge [sflag:s29], $0x2800  }
0x107: {  	s0 =	sadd.s32 $0xF00, s5;
	[sflag:s29] =	ssyncset.done $0x0  }
0x108: {  	s1 =	simm.s32 $0x600;
	s18 =	smov.u32 s5;
	[sflag:s29] =	ssyncadd.s32 $0xFFFFD800  }
.LBB2_4:
0x109: {  	[tilespmem:s21], [sflag:$0x3] =	stream.linear.gather [hbm4b:s18+s3], $0x2800, $0x38;
	[tilespmem:$0x1F880] =	vst v63  }
0x10a: {  	s6 =	smov.u32 s1;
	s18 =	smov.u32 s0  }
0x10b: {  	p1 =	sne.s32 s1, $0xEA00;
	s1 =	sadd.s32 $0x600, s1;
	_ =	swait.ge [sflag:s26], $0x2800  }
0x10c: {  	s6 =	sshra.s32 s6, $0x2;
	[sflag:s26] =	ssyncset.done $0x0  }
0x10d: {  	s8 =	sadd.s32 $0x13880, s6;
	[sflag:s26] =	ssyncadd.s32 $0xFFFFD800  }
0x10e: {  	[spmem:s2] =	stream.indirect.scatter.add.f32 [tilespmem:s19], [sflag:$0x6], $0x80, s8, s28, $0xb8;
	[tilespmem:$0x1F880] =	vst v63  }
0x10f: {  	_ =	swait.ge [sflag:s29], $0x2800  }
0x110: {  	[sflag:s29] =	ssyncset.done $0x0  }
0x111: {  	s8 =	sadd.s32 $0xFFFFF600, s0;
	[sflag:s29] =	ssyncadd.s32 $0xFFFFD800  }
0x112: {  	[tilespmem:s19], [sflag:$0x1] =	stream.linear.gather [hbm4b:s8+s3], $0x2800, $0x38;
	[tilespmem:$0x1F880] =	vst v63  }
0x113: {  	_ =	swait.ge [sflag:s30], $0x2800  }
0x114: {  	[sflag:s30] =	ssyncset.done $0x0  }
0x115: {  	s8 =	sadd.s32 $0x13900, s6;
	[sflag:s30] =	ssyncadd.s32 $0xFFFFD800  }
0x116: {  	[spmem:s2] =	stream.indirect.scatter.add.f32 [tilespmem:s20], [sflag:$0x6], $0x80, s8, s28, $0xb8;
	[tilespmem:$0x1F880] =	vst v63  }
0x117: {  	_ =	swait.ge [sflag:s29], $0x2800  }
0x118: {  	[sflag:s29] =	ssyncset.done $0x0  }
0x119: {  	s8 =	sadd.s32 $0xFFFFFB00, s0;
	[sflag:s29] =	ssyncadd.s32 $0xFFFFD800  }
0x11a: {  	[tilespmem:s20], [sflag:$0x2] =	stream.linear.gather [hbm4b:s8+s3], $0x2800, $0x38;
	[tilespmem:$0x1F880] =	vst v63  }
0x11b: {  	_ =	swait.ge [sflag:s31], $0x2800  }
0x11c: {  	[sflag:s31] =	ssyncset.done $0x0  }
.Ltmp1:
0x11d: {  	s6 =	sadd.s32 $0x13980, s6;
	[sflag:s31] =	ssyncadd.s32 $0xFFFFD800;
	(pc) =	sbr.rel @p1 .LBB2_4-.Ltmp1, $4  }
0x11e: {  	[spmem:s2] =	stream.indirect.scatter.add.f32 [tilespmem:s21], [sflag:$0x6], $0x80, s6, s28, $0xb8;
	[tilespmem:$0x1F880] =	vst v63  }
0x11f: {  	_ =	swait.ge [sflag:s29], $0x2800  }
0x120: {  	[sflag:s29] =	ssyncset.done $0x0  }
0x121: {  	s0 =	sadd.s32 $0xF00, s0;
	[sflag:s29] =	ssyncadd.s32 $0xFFFFD800  }
0x122: {  	[tilespmem:s21], [sflag:$0x3] =	stream.linear.gather [hbm4b:s18+s3], $0x2800, $0x38;
	[tilespmem:$0x1F880] =	vst v63  }
0x123: {  	_ =	swait.ge [sflag:s26], $0x2800  }
0x124: {  	[sflag:s26] =	ssyncset.done $0x0  }
0x125: {  	s0 =	simm.s32 $0x17480;
	[sflag:s26] =	ssyncadd.s32 $0xFFFFD800  }
0x126: {  	[spmem:s2] =	stream.indirect.scatter.add.f32 [tilespmem:s19], [sflag:$0x6], $0x80, s0, s28, $0xb8;
	[tilespmem:$0x1F880] =	vst v63  }
0x127: {  	_ =	swait.ge [sflag:s29], $0x2800  }
0x128: {  	[sflag:s29] =	ssyncset.done $0x0  }
0x129: {  	[sflag:s29] =	ssyncadd.s32 $0xFFFFD800  }
0x12a: {  	[tilespmem:s19], [sflag:$0x1] =	stream.linear.gather [hbm4b:s16+s3], $0x2800, $0x38;
	[tilespmem:$0x1F880] =	vst v63  }
0x12b: {  	_ =	swait.ge [sflag:s30], $0x2800  }
0x12c: {  	[sflag:s30] =	ssyncset.done $0x0  }
0x12d: {  	s18 =	simm.s32 $0x17500;
	[sflag:s30] =	ssyncadd.s32 $0xFFFFD800  }
0x12e: {  	[spmem:s2] =	stream.indirect.scatter.add.f32 [tilespmem:s20], [sflag:$0x6], $0x80, s18, s28, $0xb8;
	[tilespmem:$0x1F880] =	vst v63  }
0x12f: {  	_ =	swait.ge [sflag:s29], $0x2800  }
0x130: {  	[sflag:s29] =	ssyncset.done $0x0  }
0x131: {  	[sflag:s29] =	ssyncadd.s32 $0xFFFFD800  }
0x132: {  	[tilespmem:s20], [sflag:$0x2] =	stream.linear.gather [hbm4b:s17+s3], $0x2800, $0x38;
	[tilespmem:$0x1F880] =	vst v63  }
0x133: {  	_ =	swait.ge [sflag:s31], $0x2800  }
0x134: {  	[sflag:s31] =	ssyncset.done $0x0  }
0x135: {  	s1 =	simm.s32 $0x17580;
	[sflag:s31] =	ssyncadd.s32 $0xFFFFD800  }
0x136: {  	[spmem:s2] =	stream.indirect.scatter.add.f32 [tilespmem:s21], [sflag:$0x6], $0x80, s1, s28, $0xb8;
	[tilespmem:$0x1F880] =	vst v63  }
0x137: {  	_ =	swait.ge [sflag:s29], $0x2800  }
0x138: {  	[sflag:s29] =	ssyncset.done $0x0  }
0x139: {  	[sflag:s29] =	ssyncadd.s32 $0xFFFFD800  }
0x13a: {  	_ =	swait.ge [sflag:s26], $0x2800  }
0x13b: {  	[sflag:s26] =	ssyncset.done $0x0  }
0x13c: {  	s6 =	simm.s32 $0x17600;
	[sflag:s26] =	ssyncadd.s32 $0xFFFFD800  }
0x13d: {  	[spmem:s2] =	stream.indirect.scatter.add.f32 [tilespmem:s19], [sflag:$0x6], $0x80, s6, s28, $0xb8;
	[tilespmem:$0x1F880] =	vst v63  }
0x13e: {  	_ =	swait.ge [sflag:s29], $0x2800  }
0x13f: {  	[sflag:s29] =	ssyncset.done $0x0  }
0x140: {  	[sflag:s29] =	ssyncadd.s32 $0xFFFFD800  }
0x141: {  	_ =	swait.ge [sflag:s30], $0x2800  }
0x142: {  	[sflag:s30] =	ssyncset.done $0x0  }
0x143: {  	s8 =	simm.s32 $0x17680;
	[sflag:s30] =	ssyncadd.s32 $0xFFFFD800  }
0x144: {  	[spmem:s2] =	stream.indirect.scatter.add.f32 [tilespmem:s20], [sflag:$0x6], $0x80, s8, s28, $0xb8;
	[tilespmem:$0x1F880] =	vst v63  }
0x145: {  	_ =	swait.ge [sflag:s29], $0x2800  }
0x146: {  	s18 =	stileid.u32;
	[sflag:s29] =	ssyncset.done $0x0  }
0x147: {  	s0 =	sshll.u32 s18, $0x6;
	[sflag:s29] =	ssyncadd.s32 $0xFFFFD800  }
0x148: {  	s0 =	sor.u32 $0x1C06, s0;
	s1 =	sshrl.u32 s7, $0x3;
	[bflag:$0x0] =	sbarrier.arrive $0xFFFF  }
0x149: {  	[hbm:s13], [sflag:s0] =	dma.local [spmem:s1], $0x2700  }
0x14a: {  	_ =	swait.ge [sflag:s29], $0x2700  }
0x14b: {  	s22 =	sadd.s32 $0x1, s22;
	[sflag:s29] =	ssyncset.done $0x0  }
0x14c: {  	p1 =	sne.s32 s22, s15;
	s1 =	sshrl.u32 @!p0 s12, $0x3;
	[sflag:s29] =	ssyncadd.s32 $0xFFFFD900  }
0x14d: {  	[hbm:s14], [sflag:s0] =	dma.local @!p0 [spmem:s1], $0x100  }
.Ltmp2:
0x14e: {  	_ = 	snop;
	(pc) =	sbr.rel @p1 .LBB2_1-.Ltmp2, $4  }
0x14f: {  	s0 =	simm.s32 @!p0 $0x6  }
0x150: {  	_ =	swait.ge @!p0 [sflag:s0], $0x100  }
0x151: {  	[sflag:s0] =	ssyncset.done @!p0 $0x0  }
0x152: {  	[sflag:s0] =	ssyncadd.s32 @!p0 $0xFFFFFF00  }
0x153: {  	_ =	sfence.sel $0x180000  }
0x154: {  	[bflag:$0x0] =	sbarrier.arrive $0xFFFF  }
0x155: {  	_ =	strace $0x90000047  }
0x156: {  	s0 =	stileid.u32;
	[bflag:$0x2] =	sbarrier.arrive $0xFFFF  }
0x157: {  	p0 =	sne.s32 s0, $0x0;
	s0 =	rddreg [dreg:$0x4]  }
0x158: {  	s0 =	sadd.s32 @!p0 $0x100000, s0  }
0x159: {  	[sflag:s0] =	ssyncadd.tile.s32 @!p0 $0x1;
	_ =	shalt  }
.Lfunc_end2:
_tile_overlayer_lowered:
.L_overlay_start_2:
0x15a: {  	(tag) =	ssettag $0x2  }
0x15b: {  	s0 =	rddreg [dreg:$0x0];
	s2 =	stileid.u32  }
0x15c: {  	s1 =	rddreg [dreg:$0x1];
	p0 =	sne.s32 s2, $0x0  }
0x15d: {  	s3 =	rddreg [dreg:$0x2];
	[bflag:$0x3] =	sbarrier.arrive $0xFFFF;
	s2 =	simm.s32 @!p0 $0x1C06  }
0x15e: {  	[timem:s3], [sflag:s2] =	dma.local @!p0 [hbm:s0], s1  }
0x15f: {  	s0 =	simm.s32 @!p0 $0x6  }
0x160: {  	_ =	swait.ge @!p0 [sflag:s0], s1  }
0x161: {  	s1 =	ssub.s32 @!p0 $0x0, s1;
	[sflag:s0] =	ssyncset.done @!p0 $0x0  }
0x162: {  	[sflag:s0] =	ssyncadd.s32 @!p0 s1  }
0x163: {  	[bflag:$0x3] =	sbarrier.arrive $0xFFFF  }
0x164: {  	_ =	shalt  }

</sc_bundles>
